<compile_context>
chip_gen: v7x
topology: tpu7x:2x2x1
jax: 0.10.2.dev20260603
libtpu: 0.0.44.dev20260713+nightly
codegen_flags: <defaults>
</compile_context>

<pallas_src>
import functools

import jax
import jax.numpy as jnp
from jax import lax
from jax.experimental import pallas as pl
from jax.experimental.pallas import tpu as pltpu
from jax.experimental.pallas import tpu_sc as plsc

N = 10000
NP = 10240
E = 320000
D_IN = 128
D_HID = 128
NC = 2
NS = 16
NW = NC * NS
B = 128
K = 80
EP = NW * K * B
RP = NP // NS
R = 256
GRID = NP // R

@functools.cache
def _mesh():
    return plsc.VectorSubcoreMesh(
        core_axis_name="c", subcore_axis_name="s",
        num_cores=NC, num_subcores=NS)



def _deg_body(ones_h, dst_h, zer_h, out_h, dst_v, ones_v, acc_sh, sem):
    cid = lax.axis_index("c")
    sid = lax.axis_index("s")
    wid = cid * NS + sid
    pltpu.sync_copy(dst_h.at[wid], dst_v)
    pltpu.sync_copy(ones_h, ones_v)
    pltpu.sync_copy(zer_h.at[pl.ds(sid * RP, RP)],
                    acc_sh.at[pl.ds(sid * RP, RP)])
    plsc.subcore_barrier()

    def step(gi, c):
        for b in range(4):
            pltpu.async_copy(ones_v, acc_sh.at[dst_v.at[gi * 4 + b]], sem,
                             add=True)
        for b in range(4):
            pltpu.make_async_copy(ones_v, acc_sh.at[dst_v.at[gi * 4 + b]],
                                  sem).wait()
        return c

    lax.fori_loop(0, K // 4, step, 0)
    plsc.subcore_barrier()
    pltpu.sync_copy(acc_sh.at[pl.ds(sid * RP, RP)],
                    out_h.at[cid].at[pl.ds(sid * RP, RP)])


@functools.cache
def _deg_kernel():
    return pl.kernel(
        _deg_body,
        out_type=jax.ShapeDtypeStruct((NC, NP, 128), jnp.float32),
        mesh=_mesh(),
        scratch_types=[
            pltpu.VMEM((K, B), jnp.int32),
            pltpu.VMEM((B, 128), jnp.float32),
            pltpu.VMEM_SHARED((NP, 128), jnp.float32),
            pltpu.SemaphoreType.DMA,
        ],
    )


def _make_agg(D):
    M = K // 2

    def body(g_h, src_h, dst_h, zer_h, out_h, dst_v, ring_v, buf0, buf1,
             acc_sh, sg0, sg1, sr):
        cid = lax.axis_index("c")
        sid = lax.axis_index("s")
        wid = cid * NS + sid
        pltpu.sync_copy(dst_h.at[wid], dst_v)
        pltpu.sync_copy(zer_h.at[pl.ds(sid * RP, RP)],
                        acc_sh.at[pl.ds(sid * RP, RP)])

        srcrows = src_h.at[wid]

        def ring_fetch(r):
            pltpu.async_copy(srcrows.at[r], ring_v.at[r % 4], sr)

        def ring_wait():
            pltpu.make_async_copy(srcrows.at[0], ring_v.at[0], sr).wait()

        def gather_start(j, buf, sem):
            pltpu.async_copy(g_h.at[ring_v.at[j % 4]], buf, sem)

        def gather_wait(j, buf, sem):
            pltpu.make_async_copy(g_h.at[ring_v.at[j % 4]], buf, sem).wait()

        plsc.subcore_barrier()
        for r in range(4):
            ring_fetch(r)
        ring_wait()
        gather_start(0, buf0, sg0)

        def pair(m, c):
            j0 = 2 * m
            j1 = j0 + 1
            gather_wait(j0, buf0, sg0)
            ring_wait()
            gather_start(j1, buf1, sg1)

            @pl.when(j0 + 4 < K)
            def _():
                ring_fetch(j0 + 4)

            pltpu.sync_copy(buf0, acc_sh.at[dst_v.at[j0]], add=True)
            gather_wait(j1, buf1, sg1)

            @pl.when(j0 + 2 < K)
            def _():
                ring_wait()
                gather_start(j0 + 2, buf0, sg0)

            @pl.when(j1 + 4 < K)
            def _():
                ring_fetch(j1 + 4)

            pltpu.sync_copy(buf1, acc_sh.at[dst_v.at[j1]], add=True)
            return c

        lax.fori_loop(0, M, pair, 0)
        plsc.subcore_barrier()
        pltpu.sync_copy(acc_sh.at[pl.ds(sid * RP, RP)],
                        out_h.at[cid].at[pl.ds(sid * RP, RP)])

    return pl.kernel(
        body,
        out_type=jax.ShapeDtypeStruct((NC, NP, D), jnp.float32),
        mesh=_mesh(),
        scratch_types=[
            pltpu.VMEM((K, B), jnp.int32),
            pltpu.VMEM((4, B), jnp.int32),
            pltpu.VMEM((B, D), jnp.float32),
            pltpu.VMEM((B, D), jnp.float32),
            pltpu.VMEM_SHARED((NP, D), jnp.float32),
            pltpu.SemaphoreType.DMA,
            pltpu.SemaphoreType.DMA,
            pltpu.SemaphoreType.DMA,
        ],
    )


_agg128 = functools.cache(lambda: _make_agg(D_HID))



def _tc1_body(x_ref, w_ref, p0_ref, p1_ref, g_ref, dinv_ref):
    deg = p0_ref[:, :1] + p1_ref[:, :1] + 1.0
    dinv = lax.rsqrt(deg)
    h = jnp.dot(x_ref[...], w_ref[...], preferred_element_type=jnp.float32)
    g_ref[...] = dinv * h
    dinv_ref[...] = jnp.broadcast_to(dinv, (dinv.shape[0], 16))


def _tc2_body(a0_ref, a1_ref, g_ref, dinv_ref, b1_ref, ghr_ref):
    dinv = dinv_ref[...]
    s = dinv[:, :1] * (a0_ref[...] + a1_ref[...] + g_ref[...]) + b1_ref[...]
    hr = jnp.maximum(s, 0.0)
    ghr_ref[...] = dinv[:, :1] * hr


def _tc3_body(c0_ref, c1_ref, ghr_ref, dinv_ref, w2_ref, b2_ref, out_ref):
    dinv = dinv_ref[...]
    t = c0_ref[...] + c1_ref[...] + ghr_ref[...]
    h2 = jnp.dot(t, w2_ref[...], preferred_element_type=jnp.float32)
    o = dinv[:, :1] * h2 + b2_ref[...]
    o0 = o[:, 0:1]
    o1 = o[:, 1:2]
    m = jnp.maximum(o0, o1)
    e0 = jnp.exp(o0 - m)
    e1 = jnp.exp(o1 - m)
    z = e0 + e1
    out_ref[...] = jnp.concatenate(
        [e0 / z, e1 / z, jnp.zeros((o.shape[0], 14), jnp.float32)], axis=1)


def _row_spec(d):
    return pl.BlockSpec((R, d), lambda i: (i, 0))


def _full_spec(s0, s1):
    return pl.BlockSpec((s0, s1), lambda i: (0, 0))


def _tc1(x_pad, W1, p0, p1):
    return pl.pallas_call(
        _tc1_body,
        grid=(GRID,),
        in_specs=[_row_spec(D_IN), _full_spec(D_IN, D_HID),
                  _row_spec(128), _row_spec(128)],
        out_specs=[_row_spec(D_HID), _row_spec(16)],
        out_shape=[jax.ShapeDtypeStruct((NP, D_HID), jnp.float32),
                   jax.ShapeDtypeStruct((NP, 16), jnp.float32)],
    )(x_pad, W1, p0, p1)


def _tc2(a0, a1, g, dinv16, b1r):
    return pl.pallas_call(
        _tc2_body,
        grid=(GRID,),
        in_specs=[_row_spec(D_HID), _row_spec(D_HID), _row_spec(D_HID),
                  _row_spec(16), _full_spec(1, D_HID)],
        out_specs=[_row_spec(D_HID)],
        out_shape=[jax.ShapeDtypeStruct((NP, D_HID), jnp.float32)],
    )(a0, a1, g, dinv16, b1r)[0]


def _tc3(c0, c1, ghr, dinv16, W2p, b2r):
    return pl.pallas_call(
        _tc3_body,
        grid=(GRID,),
        in_specs=[_row_spec(D_HID), _row_spec(D_HID), _row_spec(D_HID),
                  _row_spec(16), _full_spec(D_HID, 16), _full_spec(1, 16)],
        out_specs=[_row_spec(16)],
        out_shape=[jax.ShapeDtypeStruct((NP, 16), jnp.float32)],
    )(c0, c1, ghr, dinv16, W2p, b2r)[0]


def kernel(x, edge_index, W1, b1, W2, b2):
    ei = edge_index.astype(jnp.int32)
    src, dst = ei[0], ei[1]

    pad_val = N + (jnp.arange(EP - E, dtype=jnp.int32) % (NP - N))
    src_ids = jnp.concatenate([src, pad_val]).reshape(NW, K, B)
    dst_ids = jnp.concatenate([dst, pad_val]).reshape(NW, K, B)

    x_pad = jnp.pad(x, ((0, NP - N), (0, 0)))
    b1r = b1.reshape(1, D_HID)
    W2p = jnp.pad(W2, ((0, 0), (0, 16 - W2.shape[1])))
    b2r = jnp.pad(b2, (0, 16 - b2.shape[0])).reshape(1, 16)

    z128 = jnp.zeros((NP, D_HID), jnp.float32)
    ones128 = jnp.ones((B, 128), jnp.float32)

    dparts = _deg_kernel()(ones128, dst_ids, z128)
    g, dinv16 = _tc1(x_pad, W1, dparts[0], dparts[1])

    aparts = _agg128()(g, src_ids, dst_ids, z128)
    ghr = _tc2(aparts[0], aparts[1], g, dinv16, b1r)

    bparts = _agg128()(ghr, src_ids, dst_ids, z128)
    out16 = _tc3(bparts[0], bparts[1], ghr, dinv16, W2p, b2r)
    return out16[:N, :2]

# --- scband reference (transcript-rebuilt; emitter-appended) ---
"""Pipeline reference for scband-gcn-54614804136132 (READ-ONLY COPY).

The authoritative reference and input builder live on the scoring server;
editing this copy changes nothing except your own understanding.
"""

import jax, jax.numpy as jnp
import numpy as np

N_NODES = 10000
N_EDGES = 320000
D_IN = 128
D_HID = 128
D_OUT = 2


def gcn_conv(x, edge_index, W, b):
    # PyG-style GCNConv: add self-loops, symmetric normalization, linear + scatter-add
    num_nodes = x.shape[0]
    src = edge_index[0]
    dst = edge_index[1]
    loop = jnp.arange(num_nodes, dtype=edge_index.dtype)
    src = jnp.concatenate([src, loop])
    dst = jnp.concatenate([dst, loop])
    deg = jnp.zeros((num_nodes,), dtype=x.dtype).at[dst].add(1.0)
    dinv = 1.0 / jnp.sqrt(jnp.clip(deg, 1.0))
    norm = dinv[src] * dinv[dst]
    h = x @ W  # linear transform before propagation
    msg = h[src] * norm[:, None]
    out = jnp.zeros((num_nodes, W.shape[1]), dtype=x.dtype).at[dst].add(msg)
    return out + b


def setup_inputs(seed: int = 0) -> dict:
    key = jax.random.key(seed)
    k_x, k_ei, k_w1, k_b1, k_w2, k_b2 = jax.random.split(key, 6)
    x = jax.random.normal(k_x, (N_NODES, D_IN), dtype=jnp.float32)
    edge_index = jax.random.randint(k_ei, (2, N_EDGES), 0, N_NODES, dtype=jnp.int64)
    # Glorot-style init for GCNConv weights
    W1 = jax.random.normal(k_w1, (D_IN, D_HID), dtype=jnp.float32) * (1.0 / np.sqrt(D_IN))
    b1 = jnp.zeros((D_HID,), dtype=jnp.float32)
    W2 = jax.random.normal(k_w2, (D_HID, D_OUT), dtype=jnp.float32) * (1.0 / np.sqrt(D_HID))
    b2 = jnp.zeros((D_OUT,), dtype=jnp.float32)
    return {"x": x, "edge_index": edge_index, "W1": W1, "b1": b1, "W2": W2, "b2": b2}


def reference(x, edge_index, W1, b1, W2, b2):
    # conv1 -> relu -> dropout (identity in eval) -> conv2 -> softmax
    h = gcn_conv(x, edge_index, W1, b1)
    h = jax.nn.relu(h)
    # F.dropout with training=False is identity
    o = gcn_conv(h, edge_index, W2, b2)
    return jax.nn.softmax(o, axis=-1)

if __name__ == "__main__":
    import jax
    _d = setup_inputs()
    print(jax.jit(kernel)(*tuple(_d.values())))

</pallas_src>

<mosaic_0001>
#map = affine_map<(d0, d1) -> (0, 0)>
#map1 = affine_map<(d0, d1) -> (0, 0, 0)>
module attributes {stable_mosaic.version = 14 : i64} {
  func.func @body(%arg0: i32, %arg1: i32, %arg2: memref<10240x128xf32, #tpu.memory_space<hbm>>, %arg3: memref<32x80x128xi32, #tpu.memory_space<hbm>>, %arg4: memref<32x80x128xi32, #tpu.memory_space<hbm>>, %arg5: memref<10240x128xf32, #tpu.memory_space<hbm>>, %arg6: memref<2x10240x128xf32, #tpu.memory_space<hbm>>, %arg7: memref<80x128xi32, #tpu.memory_space<vmem>>, %arg8: memref<4x128xi32, #tpu.memory_space<vmem>>, %arg9: memref<128x128xf32, #tpu.memory_space<vmem>>, %arg10: memref<128x128xf32, #tpu.memory_space<vmem>>, %arg11: memref<10240x128xf32, #tpu.memory_space<vmem_shared>>, %arg12: memref<!tpu.dma_semaphore, #tpu.memory_space<semaphore_mem>>, %arg13: memref<!tpu.dma_semaphore, #tpu.memory_space<semaphore_mem>>, %arg14: memref<!tpu.dma_semaphore, #tpu.memory_space<semaphore_mem>>) attributes {dimension_semantics = [#tpu.dimension_semantics<core_parallel>, #tpu.dimension_semantics<subcore_parallel>], iteration_bounds = array<i64: 2, 16>, scalar_prefetch = 0 : i64, scratch_operands = 8 : i64, tpu.core_type = #tpu.core_type<sc_vector_subcore>, window_params = [{transform_indices = #map}, {transform_indices = #map1}, {transform_indices = #map1}, {transform_indices = #map}, {transform_indices = #map1}]} {
    %mul3A = arith.constant 16 : i32
    %mul3A_0 = arith.muli %arg0, %mul3A : i32
    %add3A = arith.addi %mul3A_0, %arg1 : i32
    "tpu.region"() ({
      %run_scoped3A = tpu.sem_alloc : memref<!tpu.dma_semaphore, #tpu.memory_space<semaphore_mem>>
      %dma_start3A_130 = arith.constant 0 : i32
      %dma_start3A_131 = arith.constant 0 : i32
      %dma_start3A_132 = tpu.memref_slice %arg4[%add3A, %dma_start3A_130, %dma_start3A_131] : memref<32x80x128xi32, #tpu.memory_space<hbm>> -> memref<1x80x128xi32, #tpu.memory_space<hbm>>
      %dma_start3A_133 = tpu.memref_squeeze %dma_start3A_132 : memref<1x80x128xi32, #tpu.memory_space<hbm>> -> memref<80x128xi32, #tpu.memory_space<hbm>>
      %dma_start3A_134 = arith.constant 0 : i32
      %dma_start3A_135 = arith.constant 0 : i32
      %dma_start3A_136 = tpu.memref_slice %arg4[%add3A, %dma_start3A_134, %dma_start3A_135] : memref<32x80x128xi32, #tpu.memory_space<hbm>> -> memref<1x80x128xi32, #tpu.memory_space<hbm>>
      %dma_start3A_137 = tpu.memref_squeeze %dma_start3A_136 : memref<1x80x128xi32, #tpu.memory_space<hbm>> -> memref<80x128xi32, #tpu.memory_space<hbm>>
      tpu.enqueue_dma source(%dma_start3A_137 : memref<80x128xi32, #tpu.memory_space<hbm>>) target(%arg7 : memref<80x128xi32, #tpu.memory_space<vmem>>) target_semaphore(%run_scoped3A : memref<!tpu.dma_semaphore, #tpu.memory_space<semaphore_mem>>)
      %dma_wait3A_138 = arith.constant 0 : i32
      %dma_wait3A_139 = arith.constant 0 : i32
      %dma_wait3A_140 = tpu.memref_slice %arg4[%add3A, %dma_wait3A_138, %dma_wait3A_139] : memref<32x80x128xi32, #tpu.memory_space<hbm>> -> memref<1x80x128xi32, #tpu.memory_space<hbm>>
      %dma_wait3A_141 = tpu.memref_squeeze %dma_wait3A_140 : memref<1x80x128xi32, #tpu.memory_space<hbm>> -> memref<80x128xi32, #tpu.memory_space<hbm>>
      %dma_wait3A_142 = arith.constant 0 : i32
      %dma_wait3A_143 = arith.constant 0 : i32
      %dma_wait3A_144 = tpu.memref_slice %arg4[%add3A, %dma_wait3A_142, %dma_wait3A_143] : memref<32x80x128xi32, #tpu.memory_space<hbm>> -> memref<1x80x128xi32, #tpu.memory_space<hbm>>
      %dma_wait3A_145 = tpu.memref_squeeze %dma_wait3A_144 : memref<1x80x128xi32, #tpu.memory_space<hbm>> -> memref<80x128xi32, #tpu.memory_space<hbm>>
      tpu.wait_dma2 semaphore(%run_scoped3A : memref<!tpu.dma_semaphore, #tpu.memory_space<semaphore_mem>>) src(%dma_wait3A_145 : memref<80x128xi32, #tpu.memory_space<hbm>>) dst(%arg7 : memref<80x128xi32, #tpu.memory_space<vmem>>)
      tpu.yield
    }) : () -> ()
    %mul3A_1 = arith.constant 640 : i32
    %mul3A_2 = arith.muli %arg1, %mul3A_1 : i32
    %mul3A_3 = arith.constant 640 : i32
    %mul3A_4 = arith.muli %arg1, %mul3A_3 : i32
    "tpu.region"() ({
      %run_scoped3A = tpu.sem_alloc : memref<!tpu.dma_semaphore, #tpu.memory_space<semaphore_mem>>
      %dma_start3A_130 = arith.constant 0 : i32
      %dma_start3A_131 = tpu.memref_slice %arg11[%mul3A_4, %dma_start3A_130] : memref<10240x128xf32, #tpu.memory_space<vmem_shared>> -> memref<640x128xf32, #tpu.memory_space<vmem_shared>>
      %dma_start3A_132 = arith.constant 0 : i32
      %dma_start3A_133 = tpu.memref_slice %arg5[%mul3A_2, %dma_start3A_132] : memref<10240x128xf32, #tpu.memory_space<hbm>> -> memref<640x128xf32, #tpu.memory_space<hbm>>
      tpu.enqueue_dma source(%dma_start3A_133 : memref<640x128xf32, #tpu.memory_space<hbm>>) target(%dma_start3A_131 : memref<640x128xf32, #tpu.memory_space<vmem_shared>>) target_semaphore(%run_scoped3A : memref<!tpu.dma_semaphore, #tpu.memory_space<semaphore_mem>>)
      %dma_wait3A_134 = arith.constant 0 : i32
      %dma_wait3A_135 = tpu.memref_slice %arg11[%mul3A_4, %dma_wait3A_134] : memref<10240x128xf32, #tpu.memory_space<vmem_shared>> -> memref<640x128xf32, #tpu.memory_space<vmem_shared>>
      %dma_wait3A_136 = arith.constant 0 : i32
      %dma_wait3A_137 = tpu.memref_slice %arg5[%mul3A_2, %dma_wait3A_136] : memref<10240x128xf32, #tpu.memory_space<hbm>> -> memref<640x128xf32, #tpu.memory_space<hbm>>
      tpu.wait_dma2 semaphore(%run_scoped3A : memref<!tpu.dma_semaphore, #tpu.memory_space<semaphore_mem>>) src(%dma_wait3A_137 : memref<640x128xf32, #tpu.memory_space<hbm>>) dst(%dma_wait3A_135 : memref<640x128xf32, #tpu.memory_space<vmem_shared>>)
      tpu.yield
    }) : () -> ()
    %barrier3A = arith.constant 0 : index
    tpu.barrier barrier_id(%barrier3A)
    %dma_start3A = arith.constant 0 : i32
    %dma_start3A_5 = arith.constant 0 : i32
    %dma_start3A_6 = arith.constant 0 : i32
    %dma_start3A_7 = tpu.memref_slice %arg8[%dma_start3A_5, %dma_start3A_6] : memref<4x128xi32, #tpu.memory_space<vmem>> -> memref<1x128xi32, #tpu.memory_space<vmem>>
    %dma_start3A_8 = tpu.memref_squeeze %dma_start3A_7 : memref<1x128xi32, #tpu.memory_space<vmem>> -> memref<128xi32, #tpu.memory_space<vmem>>
    %dma_start3A_9 = arith.constant 0 : i32
    %dma_start3A_10 = arith.constant 0 : i32
    %dma_start3A_11 = tpu.memref_slice %arg3[%add3A, %dma_start3A_9, %dma_start3A_10] : memref<32x80x128xi32, #tpu.memory_space<hbm>> -> memref<1x80x128xi32, #tpu.memory_space<hbm>>
    %dma_start3A_12 = tpu.memref_squeeze %dma_start3A_11 : memref<1x80x128xi32, #tpu.memory_space<hbm>> -> memref<80x128xi32, #tpu.memory_space<hbm>>
    %dma_start3A_13 = arith.constant 0 : i32
    %dma_start3A_14 = tpu.memref_slice %dma_start3A_12[%dma_start3A, %dma_start3A_13] : memref<80x128xi32, #tpu.memory_space<hbm>> -> memref<1x128xi32, #tpu.memory_space<hbm>>
    %dma_start3A_15 = tpu.memref_squeeze %dma_start3A_14 : memref<1x128xi32, #tpu.memory_space<hbm>> -> memref<128xi32, #tpu.memory_space<hbm>>
    %dma_start3A_16 = arith.constant 0 : i32
    %dma_start3A_17 = tpu.memref_slice %arg8[%dma_start3A_5, %dma_start3A_16] : memref<4x128xi32, #tpu.memory_space<vmem>> -> memref<1x128xi32, #tpu.memory_space<vmem>>
    %dma_start3A_18 = tpu.memref_squeeze %dma_start3A_17 : memref<1x128xi32, #tpu.memory_space<vmem>> -> memref<128xi32, #tpu.memory_space<vmem>>
    %dma_start3A_19 = arith.constant 0 : i32
    %dma_start3A_20 = arith.constant 0 : i32
    %dma_start3A_21 = tpu.memref_slice %arg3[%add3A, %dma_start3A_19, %dma_start3A_20] : memref<32x80x128xi32, #tpu.memory_space<hbm>> -> memref<1x80x128xi32, #tpu.memory_space<hbm>>
    %dma_start3A_22 = tpu.memref_squeeze %dma_start3A_21 : memref<1x80x128xi32, #tpu.memory_space<hbm>> -> memref<80x128xi32, #tpu.memory_space<hbm>>
    %dma_start3A_23 = arith.constant 0 : i32
    %dma_start3A_24 = tpu.memref_slice %dma_start3A_22[%dma_start3A, %dma_start3A_23] : memref<80x128xi32, #tpu.memory_space<hbm>> -> memref<1x128xi32, #tpu.memory_space<hbm>>
    %dma_start3A_25 = tpu.memref_squeeze %dma_start3A_24 : memref<1x128xi32, #tpu.memory_space<hbm>> -> memref<128xi32, #tpu.memory_space<hbm>>
    tpu.enqueue_dma source(%dma_start3A_25 : memref<128xi32, #tpu.memory_space<hbm>>) target(%dma_start3A_18 : memref<128xi32, #tpu.memory_space<vmem>>) target_semaphore(%arg14 : memref<!tpu.dma_semaphore, #tpu.memory_space<semaphore_mem>>)
    %dma_start3A_26 = arith.constant 1 : i32
    %dma_start3A_27 = arith.constant 1 : i32
    %dma_start3A_28 = arith.constant 0 : i32
    %dma_start3A_29 = tpu.memref_slice %arg8[%dma_start3A_27, %dma_start3A_28] : memref<4x128xi32, #tpu.memory_space<vmem>> -> memref<1x128xi32, #tpu.memory_space<vmem>>
    %dma_start3A_30 = tpu.memref_squeeze %dma_start3A_29 : memref<1x128xi32, #tpu.memory_space<vmem>> -> memref<128xi32, #tpu.memory_space<vmem>>
    %dma_start3A_31 = arith.constant 0 : i32
    %dma_start3A_32 = arith.constant 0 : i32
    %dma_start3A_33 = tpu.memref_slice %arg3[%add3A, %dma_start3A_31, %dma_start3A_32] : memref<32x80x128xi32, #tpu.memory_space<hbm>> -> memref<1x80x128xi32, #tpu.memory_space<hbm>>
    %dma_start3A_34 = tpu.memref_squeeze %dma_start3A_33 : memref<1x80x128xi32, #tpu.memory_space<hbm>> -> memref<80x128xi32, #tpu.memory_space<hbm>>
    %dma_start3A_35 = arith.constant 0 : i32
    %dma_start3A_36 = tpu.memref_slice %dma_start3A_34[%dma_start3A_26, %dma_start3A_35] : memref<80x128xi32, #tpu.memory_space<hbm>> -> memref<1x128xi32, #tpu.memory_space<hbm>>
    %dma_start3A_37 = tpu.memref_squeeze %dma_start3A_36 : memref<1x128xi32, #tpu.memory_space<hbm>> -> memref<128xi32, #tpu.memory_space<hbm>>
    %dma_start3A_38 = arith.constant 0 : i32
    %dma_start3A_39 = tpu.memref_slice %arg8[%dma_start3A_27, %dma_start3A_38] : memref<4x128xi32, #tpu.memory_space<vmem>> -> memref<1x128xi32, #tpu.memory_space<vmem>>
    %dma_start3A_40 = tpu.memref_squeeze %dma_start3A_39 : memref<1x128xi32, #tpu.memory_space<vmem>> -> memref<128xi32, #tpu.memory_space<vmem>>
    %dma_start3A_41 = arith.constant 0 : i32
    %dma_start3A_42 = arith.constant 0 : i32
    %dma_start3A_43 = tpu.memref_slice %arg3[%add3A, %dma_start3A_41, %dma_start3A_42] : memref<32x80x128xi32, #tpu.memory_space<hbm>> -> memref<1x80x128xi32, #tpu.memory_space<hbm>>
    %dma_start3A_44 = tpu.memref_squeeze %dma_start3A_43 : memref<1x80x128xi32, #tpu.memory_space<hbm>> -> memref<80x128xi32, #tpu.memory_space<hbm>>
    %dma_start3A_45 = arith.constant 0 : i32
    %dma_start3A_46 = tpu.memref_slice %dma_start3A_44[%dma_start3A_26, %dma_start3A_45] : memref<80x128xi32, #tpu.memory_space<hbm>> -> memref<1x128xi32, #tpu.memory_space<hbm>>
    %dma_start3A_47 = tpu.memref_squeeze %dma_start3A_46 : memref<1x128xi32, #tpu.memory_space<hbm>> -> memref<128xi32, #tpu.memory_space<hbm>>
    tpu.enqueue_dma source(%dma_start3A_47 : memref<128xi32, #tpu.memory_space<hbm>>) target(%dma_start3A_40 : memref<128xi32, #tpu.memory_space<vmem>>) target_semaphore(%arg14 : memref<!tpu.dma_semaphore, #tpu.memory_space<semaphore_mem>>)
    %dma_start3A_48 = arith.constant 2 : i32
    %dma_start3A_49 = arith.constant 2 : i32
    %dma_start3A_50 = arith.constant 0 : i32
    %dma_start3A_51 = tpu.memref_slice %arg8[%dma_start3A_49, %dma_start3A_50] : memref<4x128xi32, #tpu.memory_space<vmem>> -> memref<1x128xi32, #tpu.memory_space<vmem>>
    %dma_start3A_52 = tpu.memref_squeeze %dma_start3A_51 : memref<1x128xi32, #tpu.memory_space<vmem>> -> memref<128xi32, #tpu.memory_space<vmem>>
    %dma_start3A_53 = arith.constant 0 : i32
    %dma_start3A_54 = arith.constant 0 : i32
    %dma_start3A_55 = tpu.memref_slice %arg3[%add3A, %dma_start3A_53, %dma_start3A_54] : memref<32x80x128xi32, #tpu.memory_space<hbm>> -> memref<1x80x128xi32, #tpu.memory_space<hbm>>
    %dma_start3A_56 = tpu.memref_squeeze %dma_start3A_55 : memref<1x80x128xi32, #tpu.memory_space<hbm>> -> memref<80x128xi32, #tpu.memory_space<hbm>>
    %dma_start3A_57 = arith.constant 0 : i32
    %dma_start3A_58 = tpu.memref_slice %dma_start3A_56[%dma_start3A_48, %dma_start3A_57] : memref<80x128xi32, #tpu.memory_space<hbm>> -> memref<1x128xi32, #tpu.memory_space<hbm>>
    %dma_start3A_59 = tpu.memref_squeeze %dma_start3A_58 : memref<1x128xi32, #tpu.memory_space<hbm>> -> memref<128xi32, #tpu.memory_space<hbm>>
    %dma_start3A_60 = arith.constant 0 : i32
    %dma_start3A_61 = tpu.memref_slice %arg8[%dma_start3A_49, %dma_start3A_60] : memref<4x128xi32, #tpu.memory_space<vmem>> -> memref<1x128xi32, #tpu.memory_space<vmem>>
    %dma_start3A_62 = tpu.memref_squeeze %dma_start3A_61 : memref<1x128xi32, #tpu.memory_space<vmem>> -> memref<128xi32, #tpu.memory_space<vmem>>
    %dma_start3A_63 = arith.constant 0 : i32
    %dma_start3A_64 = arith.constant 0 : i32
    %dma_start3A_65 = tpu.memref_slice %arg3[%add3A, %dma_start3A_63, %dma_start3A_64] : memref<32x80x128xi32, #tpu.memory_space<hbm>> -> memref<1x80x128xi32, #tpu.memory_space<hbm>>
    %dma_start3A_66 = tpu.memref_squeeze %dma_start3A_65 : memref<1x80x128xi32, #tpu.memory_space<hbm>> -> memref<80x128xi32, #tpu.memory_space<hbm>>
    %dma_start3A_67 = arith.constant 0 : i32
    %dma_start3A_68 = tpu.memref_slice %dma_start3A_66[%dma_start3A_48, %dma_start3A_67] : memref<80x128xi32, #tpu.memory_space<hbm>> -> memref<1x128xi32, #tpu.memory_space<hbm>>
    %dma_start3A_69 = tpu.memref_squeeze %dma_start3A_68 : memref<1x128xi32, #tpu.memory_space<hbm>> -> memref<128xi32, #tpu.memory_space<hbm>>
    tpu.enqueue_dma source(%dma_start3A_69 : memref<128xi32, #tpu.memory_space<hbm>>) target(%dma_start3A_62 : memref<128xi32, #tpu.memory_space<vmem>>) target_semaphore(%arg14 : memref<!tpu.dma_semaphore, #tpu.memory_space<semaphore_mem>>)
    %dma_start3A_70 = arith.constant 3 : i32
    %dma_start3A_71 = arith.constant 3 : i32
    %dma_start3A_72 = arith.constant 0 : i32
    %dma_start3A_73 = tpu.memref_slice %arg8[%dma_start3A_71, %dma_start3A_72] : memref<4x128xi32, #tpu.memory_space<vmem>> -> memref<1x128xi32, #tpu.memory_space<vmem>>
    %dma_start3A_74 = tpu.memref_squeeze %dma_start3A_73 : memref<1x128xi32, #tpu.memory_space<vmem>> -> memref<128xi32, #tpu.memory_space<vmem>>
    %dma_start3A_75 = arith.constant 0 : i32
    %dma_start3A_76 = arith.constant 0 : i32
    %dma_start3A_77 = tpu.memref_slice %arg3[%add3A, %dma_start3A_75, %dma_start3A_76] : memref<32x80x128xi32, #tpu.memory_space<hbm>> -> memref<1x80x128xi32, #tpu.memory_space<hbm>>
    %dma_start3A_78 = tpu.memref_squeeze %dma_start3A_77 : memref<1x80x128xi32, #tpu.memory_space<hbm>> -> memref<80x128xi32, #tpu.memory_space<hbm>>
    %dma_start3A_79 = arith.constant 0 : i32
    %dma_start3A_80 = tpu.memref_slice %dma_start3A_78[%dma_start3A_70, %dma_start3A_79] : memref<80x128xi32, #tpu.memory_space<hbm>> -> memref<1x128xi32, #tpu.memory_space<hbm>>
    %dma_start3A_81 = tpu.memref_squeeze %dma_start3A_80 : memref<1x128xi32, #tpu.memory_space<hbm>> -> memref<128xi32, #tpu.memory_space<hbm>>
    %dma_start3A_82 = arith.constant 0 : i32
    %dma_start3A_83 = tpu.memref_slice %arg8[%dma_start3A_71, %dma_start3A_82] : memref<4x128xi32, #tpu.memory_space<vmem>> -> memref<1x128xi32, #tpu.memory_space<vmem>>
    %dma_start3A_84 = tpu.memref_squeeze %dma_start3A_83 : memref<1x128xi32, #tpu.memory_space<vmem>> -> memref<128xi32, #tpu.memory_space<vmem>>
    %dma_start3A_85 = arith.constant 0 : i32
    %dma_start3A_86 = arith.constant 0 : i32
    %dma_start3A_87 = tpu.memref_slice %arg3[%add3A, %dma_start3A_85, %dma_start3A_86] : memref<32x80x128xi32, #tpu.memory_space<hbm>> -> memref<1x80x128xi32, #tpu.memory_space<hbm>>
    %dma_start3A_88 = tpu.memref_squeeze %dma_start3A_87 : memref<1x80x128xi32, #tpu.memory_space<hbm>> -> memref<80x128xi32, #tpu.memory_space<hbm>>
    %dma_start3A_89 = arith.constant 0 : i32
    %dma_start3A_90 = tpu.memref_slice %dma_start3A_88[%dma_start3A_70, %dma_start3A_89] : memref<80x128xi32, #tpu.memory_space<hbm>> -> memref<1x128xi32, #tpu.memory_space<hbm>>
    %dma_start3A_91 = tpu.memref_squeeze %dma_start3A_90 : memref<1x128xi32, #tpu.memory_space<hbm>> -> memref<128xi32, #tpu.memory_space<hbm>>
    tpu.enqueue_dma source(%dma_start3A_91 : memref<128xi32, #tpu.memory_space<hbm>>) target(%dma_start3A_84 : memref<128xi32, #tpu.memory_space<vmem>>) target_semaphore(%arg14 : memref<!tpu.dma_semaphore, #tpu.memory_space<semaphore_mem>>)
    %dma_wait3A = arith.constant 0 : i32
    %dma_wait3A_92 = arith.constant 0 : i32
    %dma_wait3A_93 = arith.constant 0 : i32
    %dma_wait3A_94 = tpu.memref_slice %arg8[%dma_wait3A_92, %dma_wait3A_93] : memref<4x128xi32, #tpu.memory_space<vmem>> -> memref<1x128xi32, #tpu.memory_space<vmem>>
    %dma_wait3A_95 = tpu.memref_squeeze %dma_wait3A_94 : memref<1x128xi32, #tpu.memory_space<vmem>> -> memref<128xi32, #tpu.memory_space<vmem>>
    %dma_wait3A_96 = arith.constant 0 : i32
    %dma_wait3A_97 = arith.constant 0 : i32
    %dma_wait3A_98 = tpu.memref_slice %arg3[%add3A, %dma_wait3A_96, %dma_wait3A_97] : memref<32x80x128xi32, #tpu.memory_space<hbm>> -> memref<1x80x128xi32, #tpu.memory_space<hbm>>
    %dma_wait3A_99 = tpu.memref_squeeze %dma_wait3A_98 : memref<1x80x128xi32, #tpu.memory_space<hbm>> -> memref<80x128xi32, #tpu.memory_space<hbm>>
    %dma_wait3A_100 = arith.constant 0 : i32
    %dma_wait3A_101 = tpu.memref_slice %dma_wait3A_99[%dma_wait3A, %dma_wait3A_100] : memref<80x128xi32, #tpu.memory_space<hbm>> -> memref<1x128xi32, #tpu.memory_space<hbm>>
    %dma_wait3A_102 = tpu.memref_squeeze %dma_wait3A_101 : memref<1x128xi32, #tpu.memory_space<hbm>> -> memref<128xi32, #tpu.memory_space<hbm>>
    %dma_wait3A_103 = arith.constant 0 : i32
    %dma_wait3A_104 = tpu.memref_slice %arg8[%dma_wait3A_92, %dma_wait3A_103] : memref<4x128xi32, #tpu.memory_space<vmem>> -> memref<1x128xi32, #tpu.memory_space<vmem>>
    %dma_wait3A_105 = tpu.memref_squeeze %dma_wait3A_104 : memref<1x128xi32, #tpu.memory_space<vmem>> -> memref<128xi32, #tpu.memory_space<vmem>>
    %dma_wait3A_106 = arith.constant 0 : i32
    %dma_wait3A_107 = arith.constant 0 : i32
    %dma_wait3A_108 = tpu.memref_slice %arg3[%add3A, %dma_wait3A_106, %dma_wait3A_107] : memref<32x80x128xi32, #tpu.memory_space<hbm>> -> memref<1x80x128xi32, #tpu.memory_space<hbm>>
    %dma_wait3A_109 = tpu.memref_squeeze %dma_wait3A_108 : memref<1x80x128xi32, #tpu.memory_space<hbm>> -> memref<80x128xi32, #tpu.memory_space<hbm>>
    %dma_wait3A_110 = arith.constant 0 : i32
    %dma_wait3A_111 = tpu.memref_slice %dma_wait3A_109[%dma_wait3A, %dma_wait3A_110] : memref<80x128xi32, #tpu.memory_space<hbm>> -> memref<1x128xi32, #tpu.memory_space<hbm>>
    %dma_wait3A_112 = tpu.memref_squeeze %dma_wait3A_111 : memref<1x128xi32, #tpu.memory_space<hbm>> -> memref<128xi32, #tpu.memory_space<hbm>>
    tpu.wait_dma2 semaphore(%arg14 : memref<!tpu.dma_semaphore, #tpu.memory_space<semaphore_mem>>) src(%dma_wait3A_112 : memref<128xi32, #tpu.memory_space<hbm>>) dst(%dma_wait3A_105 : memref<128xi32, #tpu.memory_space<vmem>>)
    %dma_start3A_113 = arith.constant 0 : i32
    %dma_start3A_114 = arith.constant 0 : i32
    %dma_start3A_115 = tpu.memref_slice %arg8[%dma_start3A_113, %dma_start3A_114] : memref<4x128xi32, #tpu.memory_space<vmem>> -> memref<1x128xi32, #tpu.memory_space<vmem>>
    %dma_start3A_116 = tpu.memref_squeeze %dma_start3A_115 : memref<1x128xi32, #tpu.memory_space<vmem>> -> memref<128xi32, #tpu.memory_space<vmem>>
    %dma_start3A_117 = arith.constant 0 : i32
    %dma_start3A_118 = arith.constant 0 : i32
    %dma_start3A_119 = tpu.memref_slice %arg2[%dma_start3A_117, %dma_start3A_118] : memref<10240x128xf32, #tpu.memory_space<hbm>> -> memref<10240x128xf32, #tpu.memory_space<hbm>>
    tpu.enqueue_indirect_dma source(%dma_start3A_119 : memref<10240x128xf32, #tpu.memory_space<hbm>>) target(%arg9 : memref<128x128xf32, #tpu.memory_space<vmem>>) offsets(%dma_start3A_116 : memref<128xi32, #tpu.memory_space<vmem>>) semaphore(%arg12 : memref<!tpu.dma_semaphore, #tpu.memory_space<semaphore_mem>>)
    %scan3A = arith.constant 0 : i32
    %scan3A_120 = arith.constant 0 : i32
    %scan3A_121 = arith.constant 40 : i32
    %scan3A_122 = arith.addi %scan3A_120, %scan3A_121 : i32
    %scan3A_123 = arith.constant 1 : i32
    scf.for %scan3A_130 = %scan3A_120 to %scan3A_122 step %scan3A_123  : i32 {
      %mul3A_131 = arith.constant 2 : i32
      %mul3A_132 = arith.muli %mul3A_131, %scan3A_130 : i32
      %add3A_133 = arith.constant 1 : i32
      %add3A_134 = arith.addi %mul3A_132, %add3A_133 : i32
      %jit3A = arith.constant 4 : i32
      %eq3A = arith.constant 0 : i32
      %eq3A_135 = arith.cmpi eq, %jit3A, %eq3A : i32
      %jit3A_136 = arith.constant 1 : i32
      %select_n3A = arith.select %eq3A_135, %jit3A_136, %jit3A : i32
      %rem3A = arith.remsi %mul3A_132, %select_n3A : i32
      %ne3A = arith.constant 0 : i32
      %ne3A_137 = arith.cmpi ne, %rem3A, %ne3A : i32
      %lt3A = arith.constant 0 : i32
      %lt3A_138 = arith.cmpi slt, %rem3A, %lt3A : i32
      %lt3A_139 = arith.constant 0 : i32
      %lt3A_140 = arith.cmpi slt, %select_n3A, %lt3A_139 : i32
      %ne3A_141 = arith.xori %lt3A_138, %lt3A_140 : i1
      %and3A = arith.andi %ne3A_141, %ne3A_137 : i1
      %add3A_142 = arith.addi %rem3A, %select_n3A : i32
      %select_n3A_143 = arith.select %and3A, %add3A_142, %rem3A : i32
      %dma_wait3A_144 = arith.constant 0 : i32
      %dma_wait3A_145 = tpu.memref_slice %arg8[%select_n3A_143, %dma_wait3A_144] : memref<4x128xi32, #tpu.memory_space<vmem>> -> memref<1x128xi32, #tpu.memory_space<vmem>>
      %dma_wait3A_146 = tpu.memref_squeeze %dma_wait3A_145 : memref<1x128xi32, #tpu.memory_space<vmem>> -> memref<128xi32, #tpu.memory_space<vmem>>
      %dma_wait3A_147 = arith.constant 0 : i32
      %dma_wait3A_148 = arith.constant 0 : i32
      %dma_wait3A_149 = tpu.memref_slice %arg2[%dma_wait3A_147, %dma_wait3A_148] : memref<10240x128xf32, #tpu.memory_space<hbm>> -> memref<10240x128xf32, #tpu.memory_space<hbm>>
      tpu.wait_indirect_dma semaphore(%arg12 : memref<!tpu.dma_semaphore, #tpu.memory_space<semaphore_mem>>) src(%dma_wait3A_149 : memref<10240x128xf32, #tpu.memory_space<hbm>>) dst(%arg9 : memref<128x128xf32, #tpu.memory_space<vmem>>)
      %dma_wait3A_150 = arith.constant 0 : i32
      %dma_wait3A_151 = arith.constant 0 : i32
      %dma_wait3A_152 = arith.constant 0 : i32
      %dma_wait3A_153 = tpu.memref_slice %arg8[%dma_wait3A_151, %dma_wait3A_152] : memref<4x128xi32, #tpu.memory_space<vmem>> -> memref<1x128xi32, #tpu.memory_space<vmem>>
      %dma_wait3A_154 = tpu.memref_squeeze %dma_wait3A_153 : memref<1x128xi32, #tpu.memory_space<vmem>> -> memref<128xi32, #tpu.memory_space<vmem>>
      %dma_wait3A_155 = arith.constant 0 : i32
      %dma_wait3A_156 = arith.constant 0 : i32
      %dma_wait3A_157 = tpu.memref_slice %arg3[%add3A, %dma_wait3A_155, %dma_wait3A_156] : memref<32x80x128xi32, #tpu.memory_space<hbm>> -> memref<1x80x128xi32, #tpu.memory_space<hbm>>
      %dma_wait3A_158 = tpu.memref_squeeze %dma_wait3A_157 : memref<1x80x128xi32, #tpu.memory_space<hbm>> -> memref<80x128xi32, #tpu.memory_space<hbm>>
      %dma_wait3A_159 = arith.constant 0 : i32
      %dma_wait3A_160 = tpu.memref_slice %dma_wait3A_158[%dma_wait3A_150, %dma_wait3A_159] : memref<80x128xi32, #tpu.memory_space<hbm>> -> memref<1x128xi32, #tpu.memory_space<hbm>>
      %dma_wait3A_161 = tpu.memref_squeeze %dma_wait3A_160 : memref<1x128xi32, #tpu.memory_space<hbm>> -> memref<128xi32, #tpu.memory_space<hbm>>
      %dma_wait3A_162 = arith.constant 0 : i32
      %dma_wait3A_163 = tpu.memref_slice %arg8[%dma_wait3A_151, %dma_wait3A_162] : memref<4x128xi32, #tpu.memory_space<vmem>> -> memref<1x128xi32, #tpu.memory_space<vmem>>
      %dma_wait3A_164 = tpu.memref_squeeze %dma_wait3A_163 : memref<1x128xi32, #tpu.memory_space<vmem>> -> memref<128xi32, #tpu.memory_space<vmem>>
      %dma_wait3A_165 = arith.constant 0 : i32
      %dma_wait3A_166 = arith.constant 0 : i32
      %dma_wait3A_167 = tpu.memref_slice %arg3[%add3A, %dma_wait3A_165, %dma_wait3A_166] : memref<32x80x128xi32, #tpu.memory_space<hbm>> -> memref<1x80x128xi32, #tpu.memory_space<hbm>>
      %dma_wait3A_168 = tpu.memref_squeeze %dma_wait3A_167 : memref<1x80x128xi32, #tpu.memory_space<hbm>> -> memref<80x128xi32, #tpu.memory_space<hbm>>
      %dma_wait3A_169 = arith.constant 0 : i32
      %dma_wait3A_170 = tpu.memref_slice %dma_wait3A_168[%dma_wait3A_150, %dma_wait3A_169] : memref<80x128xi32, #tpu.memory_space<hbm>> -> memref<1x128xi32, #tpu.memory_space<hbm>>
      %dma_wait3A_171 = tpu.memref_squeeze %dma_wait3A_170 : memref<1x128xi32, #tpu.memory_space<hbm>> -> memref<128xi32, #tpu.memory_space<hbm>>
      tpu.wait_dma2 semaphore(%arg14 : memref<!tpu.dma_semaphore, #tpu.memory_space<semaphore_mem>>) src(%dma_wait3A_171 : memref<128xi32, #tpu.memory_space<hbm>>) dst(%dma_wait3A_164 : memref<128xi32, #tpu.memory_space<vmem>>)
      %jit3A_172 = arith.constant 4 : i32
      %eq3A_173 = arith.constant 0 : i32
      %eq3A_174 = arith.cmpi eq, %jit3A_172, %eq3A_173 : i32
      %jit3A_175 = arith.constant 1 : i32
      %select_n3A_176 = arith.select %eq3A_174, %jit3A_175, %jit3A_172 : i32
      %rem3A_177 = arith.remsi %add3A_134, %select_n3A_176 : i32
      %ne3A_178 = arith.constant 0 : i32
      %ne3A_179 = arith.cmpi ne, %rem3A_177, %ne3A_178 : i32
      %lt3A_180 = arith.constant 0 : i32
      %lt3A_181 = arith.cmpi slt, %rem3A_177, %lt3A_180 : i32
      %lt3A_182 = arith.constant 0 : i32
      %lt3A_183 = arith.cmpi slt, %select_n3A_176, %lt3A_182 : i32
      %ne3A_184 = arith.xori %lt3A_181, %lt3A_183 : i1
      %and3A_185 = arith.andi %ne3A_184, %ne3A_179 : i1
      %add3A_186 = arith.addi %rem3A_177, %select_n3A_176 : i32
      %select_n3A_187 = arith.select %and3A_185, %add3A_186, %rem3A_177 : i32
      %dma_start3A_188 = arith.constant 0 : i32
      %dma_start3A_189 = tpu.memref_slice %arg8[%select_n3A_187, %dma_start3A_188] : memref<4x128xi32, #tpu.memory_space<vmem>> -> memref<1x128xi32, #tpu.memory_space<vmem>>
      %dma_start3A_190 = tpu.memref_squeeze %dma_start3A_189 : memref<1x128xi32, #tpu.memory_space<vmem>> -> memref<128xi32, #tpu.memory_space<vmem>>
      %dma_start3A_191 = arith.constant 0 : i32
      %dma_start3A_192 = arith.constant 0 : i32
      %dma_start3A_193 = tpu.memref_slice %arg2[%dma_start3A_191, %dma_start3A_192] : memref<10240x128xf32, #tpu.memory_space<hbm>> -> memref<10240x128xf32, #tpu.memory_space<hbm>>
      tpu.enqueue_indirect_dma source(%dma_start3A_193 : memref<10240x128xf32, #tpu.memory_space<hbm>>) target(%arg10 : memref<128x128xf32, #tpu.memory_space<vmem>>) offsets(%dma_start3A_190 : memref<128xi32, #tpu.memory_space<vmem>>) semaphore(%arg13 : memref<!tpu.dma_semaphore, #tpu.memory_space<semaphore_mem>>)
      %add3A_194 = arith.constant 4 : i32
      %add3A_195 = arith.addi %mul3A_132, %add3A_194 : i32
      %lt3A_196 = arith.constant 80 : i32
      %lt3A_197 = arith.cmpi slt, %add3A_195, %lt3A_196 : i32
      %convert_element_type3A = arith.extui %lt3A_197 : i1 to i32
      %cond3A = arith.constant 0 : i32
      %cond3A_198 = arith.cmpi ne, %convert_element_type3A, %cond3A : i32
      scf.if %cond3A_198 {
        %add3A_235 = arith.constant 4 : i32
        %add3A_236 = arith.addi %mul3A_132, %add3A_235 : i32
        %jit3A_237 = arith.constant 4 : i32
        %eq3A_238 = arith.constant 0 : i32
        %eq3A_239 = arith.cmpi eq, %jit3A_237, %eq3A_238 : i32
        %jit3A_240 = arith.constant 1 : i32
        %select_n3A_241 = arith.select %eq3A_239, %jit3A_240, %jit3A_237 : i32
        %rem3A_242 = arith.remsi %add3A_236, %select_n3A_241 : i32
        %ne3A_243 = arith.constant 0 : i32
        %ne3A_244 = arith.cmpi ne, %rem3A_242, %ne3A_243 : i32
        %lt3A_245 = arith.constant 0 : i32
        %lt3A_246 = arith.cmpi slt, %rem3A_242, %lt3A_245 : i32
        %lt3A_247 = arith.constant 0 : i32
        %lt3A_248 = arith.cmpi slt, %select_n3A_241, %lt3A_247 : i32
        %ne3A_249 = arith.xori %lt3A_246, %lt3A_248 : i1
        %and3A_250 = arith.andi %ne3A_249, %ne3A_244 : i1
        %add3A_251 = arith.addi %rem3A_242, %select_n3A_241 : i32
        %select_n3A_252 = arith.select %and3A_250, %add3A_251, %rem3A_242 : i32
        %dma_start3A_253 = arith.constant 0 : i32
        %dma_start3A_254 = tpu.memref_slice %arg8[%select_n3A_252, %dma_start3A_253] : memref<4x128xi32, #tpu.memory_space<vmem>> -> memref<1x128xi32, #tpu.memory_space<vmem>>
        %dma_start3A_255 = tpu.memref_squeeze %dma_start3A_254 : memref<1x128xi32, #tpu.memory_space<vmem>> -> memref<128xi32, #tpu.memory_space<vmem>>
        %dma_start3A_256 = arith.constant 0 : i32
        %dma_start3A_257 = arith.constant 0 : i32
        %dma_start3A_258 = tpu.memref_slice %arg3[%add3A, %dma_start3A_256, %dma_start3A_257] : memref<32x80x128xi32, #tpu.memory_space<hbm>> -> memref<1x80x128xi32, #tpu.memory_space<hbm>>
        %dma_start3A_259 = tpu.memref_squeeze %dma_start3A_258 : memref<1x80x128xi32, #tpu.memory_space<hbm>> -> memref<80x128xi32, #tpu.memory_space<hbm>>
        %dma_start3A_260 = arith.constant 0 : i32
        %dma_start3A_261 = tpu.memref_slice %dma_start3A_259[%add3A_236, %dma_start3A_260] : memref<80x128xi32, #tpu.memory_space<hbm>> -> memref<1x128xi32, #tpu.memory_space<hbm>>
        %dma_start3A_262 = tpu.memref_squeeze %dma_start3A_261 : memref<1x128xi32, #tpu.memory_space<hbm>> -> memref<128xi32, #tpu.memory_space<hbm>>
        %dma_start3A_263 = arith.constant 0 : i32
        %dma_start3A_264 = tpu.memref_slice %arg8[%select_n3A_252, %dma_start3A_263] : memref<4x128xi32, #tpu.memory_space<vmem>> -> memref<1x128xi32, #tpu.memory_space<vmem>>
        %dma_start3A_265 = tpu.memref_squeeze %dma_start3A_264 : memref<1x128xi32, #tpu.memory_space<vmem>> -> memref<128xi32, #tpu.memory_space<vmem>>
        %dma_start3A_266 = arith.constant 0 : i32
        %dma_start3A_267 = arith.constant 0 : i32
        %dma_start3A_268 = tpu.memref_slice %arg3[%add3A, %dma_start3A_266, %dma_start3A_267] : memref<32x80x128xi32, #tpu.memory_space<hbm>> -> memref<1x80x128xi32, #tpu.memory_space<hbm>>
        %dma_start3A_269 = tpu.memref_squeeze %dma_start3A_268 : memref<1x80x128xi32, #tpu.memory_space<hbm>> -> memref<80x128xi32, #tpu.memory_space<hbm>>
        %dma_start3A_270 = arith.constant 0 : i32
        %dma_start3A_271 = tpu.memref_slice %dma_start3A_269[%add3A_236, %dma_start3A_270] : memref<80x128xi32, #tpu.memory_space<hbm>> -> memref<1x128xi32, #tpu.memory_space<hbm>>
        %dma_start3A_272 = tpu.memref_squeeze %dma_start3A_271 : memref<1x128xi32, #tpu.memory_space<hbm>> -> memref<128xi32, #tpu.memory_space<hbm>>
        tpu.enqueue_dma source(%dma_start3A_272 : memref<128xi32, #tpu.memory_space<hbm>>) target(%dma_start3A_265 : memref<128xi32, #tpu.memory_space<vmem>>) target_semaphore(%arg14 : memref<!tpu.dma_semaphore, #tpu.memory_space<semaphore_mem>>)
      } else {
      }
      "tpu.region"() ({
        %run_scoped3A = tpu.sem_alloc : memref<!tpu.dma_semaphore, #tpu.memory_space<semaphore_mem>>
        %dma_start3A_235 = arith.constant 0 : i32
        %dma_start3A_236 = tpu.memref_slice %arg7[%mul3A_132, %dma_start3A_235] : memref<80x128xi32, #tpu.memory_space<vmem>> -> memref<1x128xi32, #tpu.memory_space<vmem>>
        %dma_start3A_237 = tpu.memref_squeeze %dma_start3A_236 : memref<1x128xi32, #tpu.memory_space<vmem>> -> memref<128xi32, #tpu.memory_space<vmem>>
        %dma_start3A_238 = arith.constant 0 : i32
        %dma_start3A_239 = arith.constant 0 : i32
        %dma_start3A_240 = tpu.memref_slice %arg11[%dma_start3A_238, %dma_start3A_239] : memref<10240x128xf32, #tpu.memory_space<vmem_shared>> -> memref<10240x128xf32, #tpu.memory_space<vmem_shared>>
        tpu.enqueue_indirect_dma source(%arg9 : memref<128x128xf32, #tpu.memory_space<vmem>>) target(%dma_start3A_240 : memref<10240x128xf32, #tpu.memory_space<vmem_shared>>) offsets(%dma_start3A_237 : memref<128xi32, #tpu.memory_space<vmem>>) semaphore(%run_scoped3A : memref<!tpu.dma_semaphore, #tpu.memory_space<semaphore_mem>>) {add = true}
        %dma_wait3A_241 = arith.constant 0 : i32
        %dma_wait3A_242 = tpu.memref_slice %arg7[%mul3A_132, %dma_wait3A_241] : memref<80x128xi32, #tpu.memory_space<vmem>> -> memref<1x128xi32, #tpu.memory_space<vmem>>
        %dma_wait3A_243 = tpu.memref_squeeze %dma_wait3A_242 : memref<1x128xi32, #tpu.memory_space<vmem>> -> memref<128xi32, #tpu.memory_space<vmem>>
        %dma_wait3A_244 = arith.constant 0 : i32
        %dma_wait3A_245 = arith.constant 0 : i32
        %dma_wait3A_246 = tpu.memref_slice %arg11[%dma_wait3A_244, %dma_wait3A_245] : memref<10240x128xf32, #tpu.memory_space<vmem_shared>> -> memref<10240x128xf32, #tpu.memory_space<vmem_shared>>
        tpu.wait_indirect_dma semaphore(%run_scoped3A : memref<!tpu.dma_semaphore, #tpu.memory_space<semaphore_mem>>) src(%arg9 : memref<128x128xf32, #tpu.memory_space<vmem>>) dst(%dma_wait3A_246 : memref<10240x128xf32, #tpu.memory_space<vmem_shared>>)
        tpu.yield
      }) : () -> ()
      %jit3A_199 = arith.constant 4 : i32
      %eq3A_200 = arith.constant 0 : i32
      %eq3A_201 = arith.cmpi eq, %jit3A_199, %eq3A_200 : i32
      %jit3A_202 = arith.constant 1 : i32
      %select_n3A_203 = arith.select %eq3A_201, %jit3A_202, %jit3A_199 : i32
      %rem3A_204 = arith.remsi %add3A_134, %select_n3A_203 : i32
      %ne3A_205 = arith.constant 0 : i32
      %ne3A_206 = arith.cmpi ne, %rem3A_204, %ne3A_205 : i32
      %lt3A_207 = arith.constant 0 : i32
      %lt3A_208 = arith.cmpi slt, %rem3A_204, %lt3A_207 : i32
      %lt3A_209 = arith.constant 0 : i32
      %lt3A_210 = arith.cmpi slt, %select_n3A_203, %lt3A_209 : i32
      %ne3A_211 = arith.xori %lt3A_208, %lt3A_210 : i1
      %and3A_212 = arith.andi %ne3A_211, %ne3A_206 : i1
      %add3A_213 = arith.addi %rem3A_204, %select_n3A_203 : i32
      %select_n3A_214 = arith.select %and3A_212, %add3A_213, %rem3A_204 : i32
      %dma_wait3A_215 = arith.constant 0 : i32
      %dma_wait3A_216 = tpu.memref_slice %arg8[%select_n3A_214, %dma_wait3A_215] : memref<4x128xi32, #tpu.memory_space<vmem>> -> memref<1x128xi32, #tpu.memory_space<vmem>>
      %dma_wait3A_217 = tpu.memref_squeeze %dma_wait3A_216 : memref<1x128xi32, #tpu.memory_space<vmem>> -> memref<128xi32, #tpu.memory_space<vmem>>
      %dma_wait3A_218 = arith.constant 0 : i32
      %dma_wait3A_219 = arith.constant 0 : i32
      %dma_wait3A_220 = tpu.memref_slice %arg2[%dma_wait3A_218, %dma_wait3A_219] : memref<10240x128xf32, #tpu.memory_space<hbm>> -> memref<10240x128xf32, #tpu.memory_space<hbm>>
      tpu.wait_indirect_dma semaphore(%arg13 : memref<!tpu.dma_semaphore, #tpu.memory_space<semaphore_mem>>) src(%dma_wait3A_220 : memref<10240x128xf32, #tpu.memory_space<hbm>>) dst(%arg10 : memref<128x128xf32, #tpu.memory_space<vmem>>)
      %add3A_221 = arith.constant 2 : i32
      %add3A_222 = arith.addi %mul3A_132, %add3A_221 : i32
      %lt3A_223 = arith.constant 80 : i32
      %lt3A_224 = arith.cmpi slt, %add3A_222, %lt3A_223 : i32
      %convert_element_type3A_225 = arith.extui %lt3A_224 : i1 to i32
      %cond3A_226 = arith.constant 0 : i32
      %cond3A_227 = arith.cmpi ne, %convert_element_type3A_225, %cond3A_226 : i32
      scf.if %cond3A_227 {
        %dma_wait3A_235 = arith.constant 0 : i32
        %dma_wait3A_236 = arith.constant 0 : i32
        %dma_wait3A_237 = arith.constant 0 : i32
        %dma_wait3A_238 = tpu.memref_slice %arg8[%dma_wait3A_236, %dma_wait3A_237] : memref<4x128xi32, #tpu.memory_space<vmem>> -> memref<1x128xi32, #tpu.memory_space<vmem>>
        %dma_wait3A_239 = tpu.memref_squeeze %dma_wait3A_238 : memref<1x128xi32, #tpu.memory_space<vmem>> -> memref<128xi32, #tpu.memory_space<vmem>>
        %dma_wait3A_240 = arith.constant 0 : i32
        %dma_wait3A_241 = arith.constant 0 : i32
        %dma_wait3A_242 = tpu.memref_slice %arg3[%add3A, %dma_wait3A_240, %dma_wait3A_241] : memref<32x80x128xi32, #tpu.memory_space<hbm>> -> memref<1x80x128xi32, #tpu.memory_space<hbm>>
        %dma_wait3A_243 = tpu.memref_squeeze %dma_wait3A_242 : memref<1x80x128xi32, #tpu.memory_space<hbm>> -> memref<80x128xi32, #tpu.memory_space<hbm>>
        %dma_wait3A_244 = arith.constant 0 : i32
        %dma_wait3A_245 = tpu.memref_slice %dma_wait3A_243[%dma_wait3A_235, %dma_wait3A_244] : memref<80x128xi32, #tpu.memory_space<hbm>> -> memref<1x128xi32, #tpu.memory_space<hbm>>
        %dma_wait3A_246 = tpu.memref_squeeze %dma_wait3A_245 : memref<1x128xi32, #tpu.memory_space<hbm>> -> memref<128xi32, #tpu.memory_space<hbm>>
        %dma_wait3A_247 = arith.constant 0 : i32
        %dma_wait3A_248 = tpu.memref_slice %arg8[%dma_wait3A_236, %dma_wait3A_247] : memref<4x128xi32, #tpu.memory_space<vmem>> -> memref<1x128xi32, #tpu.memory_space<vmem>>
        %dma_wait3A_249 = tpu.memref_squeeze %dma_wait3A_248 : memref<1x128xi32, #tpu.memory_space<vmem>> -> memref<128xi32, #tpu.memory_space<vmem>>
        %dma_wait3A_250 = arith.constant 0 : i32
        %dma_wait3A_251 = arith.constant 0 : i32
        %dma_wait3A_252 = tpu.memref_slice %arg3[%add3A, %dma_wait3A_250, %dma_wait3A_251] : memref<32x80x128xi32, #tpu.memory_space<hbm>> -> memref<1x80x128xi32, #tpu.memory_space<hbm>>
        %dma_wait3A_253 = tpu.memref_squeeze %dma_wait3A_252 : memref<1x80x128xi32, #tpu.memory_space<hbm>> -> memref<80x128xi32, #tpu.memory_space<hbm>>
        %dma_wait3A_254 = arith.constant 0 : i32
        %dma_wait3A_255 = tpu.memref_slice %dma_wait3A_253[%dma_wait3A_235, %dma_wait3A_254] : memref<80x128xi32, #tpu.memory_space<hbm>> -> memref<1x128xi32, #tpu.memory_space<hbm>>
        %dma_wait3A_256 = tpu.memref_squeeze %dma_wait3A_255 : memref<1x128xi32, #tpu.memory_space<hbm>> -> memref<128xi32, #tpu.memory_space<hbm>>
        tpu.wait_dma2 semaphore(%arg14 : memref<!tpu.dma_semaphore, #tpu.memory_space<semaphore_mem>>) src(%dma_wait3A_256 : memref<128xi32, #tpu.memory_space<hbm>>) dst(%dma_wait3A_249 : memref<128xi32, #tpu.memory_space<vmem>>)
        %add3A_257 = arith.constant 2 : i32
        %add3A_258 = arith.addi %mul3A_132, %add3A_257 : i32
        %jit3A_259 = arith.constant 4 : i32
        %eq3A_260 = arith.constant 0 : i32
        %eq3A_261 = arith.cmpi eq, %jit3A_259, %eq3A_260 : i32
        %jit3A_262 = arith.constant 1 : i32
        %select_n3A_263 = arith.select %eq3A_261, %jit3A_262, %jit3A_259 : i32
        %rem3A_264 = arith.remsi %add3A_258, %select_n3A_263 : i32
        %ne3A_265 = arith.constant 0 : i32
        %ne3A_266 = arith.cmpi ne, %rem3A_264, %ne3A_265 : i32
        %lt3A_267 = arith.constant 0 : i32
        %lt3A_268 = arith.cmpi slt, %rem3A_264, %lt3A_267 : i32
        %lt3A_269 = arith.constant 0 : i32
        %lt3A_270 = arith.cmpi slt, %select_n3A_263, %lt3A_269 : i32
        %ne3A_271 = arith.xori %lt3A_268, %lt3A_270 : i1
        %and3A_272 = arith.andi %ne3A_271, %ne3A_266 : i1
        %add3A_273 = arith.addi %rem3A_264, %select_n3A_263 : i32
        %select_n3A_274 = arith.select %and3A_272, %add3A_273, %rem3A_264 : i32
        %dma_start3A_275 = arith.constant 0 : i32
        %dma_start3A_276 = tpu.memref_slice %arg8[%select_n3A_274, %dma_start3A_275] : memref<4x128xi32, #tpu.memory_space<vmem>> -> memref<1x128xi32, #tpu.memory_space<vmem>>
        %dma_start3A_277 = tpu.memref_squeeze %dma_start3A_276 : memref<1x128xi32, #tpu.memory_space<vmem>> -> memref<128xi32, #tpu.memory_space<vmem>>
        %dma_start3A_278 = arith.constant 0 : i32
        %dma_start3A_279 = arith.constant 0 : i32
        %dma_start3A_280 = tpu.memref_slice %arg2[%dma_start3A_278, %dma_start3A_279] : memref<10240x128xf32, #tpu.memory_space<hbm>> -> memref<10240x128xf32, #tpu.memory_space<hbm>>
        tpu.enqueue_indirect_dma source(%dma_start3A_280 : memref<10240x128xf32, #tpu.memory_space<hbm>>) target(%arg9 : memref<128x128xf32, #tpu.memory_space<vmem>>) offsets(%dma_start3A_277 : memref<128xi32, #tpu.memory_space<vmem>>) semaphore(%arg12 : memref<!tpu.dma_semaphore, #tpu.memory_space<semaphore_mem>>)
      } else {
      }
      %add3A_228 = arith.constant 4 : i32
      %add3A_229 = arith.addi %add3A_134, %add3A_228 : i32
      %lt3A_230 = arith.constant 80 : i32
      %lt3A_231 = arith.cmpi slt, %add3A_229, %lt3A_230 : i32
      %convert_element_type3A_232 = arith.extui %lt3A_231 : i1 to i32
      %cond3A_233 = arith.constant 0 : i32
      %cond3A_234 = arith.cmpi ne, %convert_element_type3A_232, %cond3A_233 : i32
      scf.if %cond3A_234 {
        %add3A_235 = arith.constant 4 : i32
        %add3A_236 = arith.addi %add3A_134, %add3A_235 : i32
        %jit3A_237 = arith.constant 4 : i32
        %eq3A_238 = arith.constant 0 : i32
        %eq3A_239 = arith.cmpi eq, %jit3A_237, %eq3A_238 : i32
        %jit3A_240 = arith.constant 1 : i32
        %select_n3A_241 = arith.select %eq3A_239, %jit3A_240, %jit3A_237 : i32
        %rem3A_242 = arith.remsi %add3A_236, %select_n3A_241 : i32
        %ne3A_243 = arith.constant 0 : i32
        %ne3A_244 = arith.cmpi ne, %rem3A_242, %ne3A_243 : i32
        %lt3A_245 = arith.constant 0 : i32
        %lt3A_246 = arith.cmpi slt, %rem3A_242, %lt3A_245 : i32
        %lt3A_247 = arith.constant 0 : i32
        %lt3A_248 = arith.cmpi slt, %select_n3A_241, %lt3A_247 : i32
        %ne3A_249 = arith.xori %lt3A_246, %lt3A_248 : i1
        %and3A_250 = arith.andi %ne3A_249, %ne3A_244 : i1
        %add3A_251 = arith.addi %rem3A_242, %select_n3A_241 : i32
        %select_n3A_252 = arith.select %and3A_250, %add3A_251, %rem3A_242 : i32
        %dma_start3A_253 = arith.constant 0 : i32
        %dma_start3A_254 = tpu.memref_slice %arg8[%select_n3A_252, %dma_start3A_253] : memref<4x128xi32, #tpu.memory_space<vmem>> -> memref<1x128xi32, #tpu.memory_space<vmem>>
        %dma_start3A_255 = tpu.memref_squeeze %dma_start3A_254 : memref<1x128xi32, #tpu.memory_space<vmem>> -> memref<128xi32, #tpu.memory_space<vmem>>
        %dma_start3A_256 = arith.constant 0 : i32
        %dma_start3A_257 = arith.constant 0 : i32
        %dma_start3A_258 = tpu.memref_slice %arg3[%add3A, %dma_start3A_256, %dma_start3A_257] : memref<32x80x128xi32, #tpu.memory_space<hbm>> -> memref<1x80x128xi32, #tpu.memory_space<hbm>>
        %dma_start3A_259 = tpu.memref_squeeze %dma_start3A_258 : memref<1x80x128xi32, #tpu.memory_space<hbm>> -> memref<80x128xi32, #tpu.memory_space<hbm>>
        %dma_start3A_260 = arith.constant 0 : i32
        %dma_start3A_261 = tpu.memref_slice %dma_start3A_259[%add3A_236, %dma_start3A_260] : memref<80x128xi32, #tpu.memory_space<hbm>> -> memref<1x128xi32, #tpu.memory_space<hbm>>
        %dma_start3A_262 = tpu.memref_squeeze %dma_start3A_261 : memref<1x128xi32, #tpu.memory_space<hbm>> -> memref<128xi32, #tpu.memory_space<hbm>>
        %dma_start3A_263 = arith.constant 0 : i32
        %dma_start3A_264 = tpu.memref_slice %arg8[%select_n3A_252, %dma_start3A_263] : memref<4x128xi32, #tpu.memory_space<vmem>> -> memref<1x128xi32, #tpu.memory_space<vmem>>
        %dma_start3A_265 = tpu.memref_squeeze %dma_start3A_264 : memref<1x128xi32, #tpu.memory_space<vmem>> -> memref<128xi32, #tpu.memory_space<vmem>>
        %dma_start3A_266 = arith.constant 0 : i32
        %dma_start3A_267 = arith.constant 0 : i32
        %dma_start3A_268 = tpu.memref_slice %arg3[%add3A, %dma_start3A_266, %dma_start3A_267] : memref<32x80x128xi32, #tpu.memory_space<hbm>> -> memref<1x80x128xi32, #tpu.memory_space<hbm>>
        %dma_start3A_269 = tpu.memref_squeeze %dma_start3A_268 : memref<1x80x128xi32, #tpu.memory_space<hbm>> -> memref<80x128xi32, #tpu.memory_space<hbm>>
        %dma_start3A_270 = arith.constant 0 : i32
        %dma_start3A_271 = tpu.memref_slice %dma_start3A_269[%add3A_236, %dma_start3A_270] : memref<80x128xi32, #tpu.memory_space<hbm>> -> memref<1x128xi32, #tpu.memory_space<hbm>>
        %dma_start3A_272 = tpu.memref_squeeze %dma_start3A_271 : memref<1x128xi32, #tpu.memory_space<hbm>> -> memref<128xi32, #tpu.memory_space<hbm>>
        tpu.enqueue_dma source(%dma_start3A_272 : memref<128xi32, #tpu.memory_space<hbm>>) target(%dma_start3A_265 : memref<128xi32, #tpu.memory_space<vmem>>) target_semaphore(%arg14 : memref<!tpu.dma_semaphore, #tpu.memory_space<semaphore_mem>>)
      } else {
      }
      "tpu.region"() ({
        %run_scoped3A = tpu.sem_alloc : memref<!tpu.dma_semaphore, #tpu.memory_space<semaphore_mem>>
        %dma_start3A_235 = arith.constant 0 : i32
        %dma_start3A_236 = tpu.memref_slice %arg7[%add3A_134, %dma_start3A_235] : memref<80x128xi32, #tpu.memory_space<vmem>> -> memref<1x128xi32, #tpu.memory_space<vmem>>
        %dma_start3A_237 = tpu.memref_squeeze %dma_start3A_236 : memref<1x128xi32, #tpu.memory_space<vmem>> -> memref<128xi32, #tpu.memory_space<vmem>>
        %dma_start3A_238 = arith.constant 0 : i32
        %dma_start3A_239 = arith.constant 0 : i32
        %dma_start3A_240 = tpu.memref_slice %arg11[%dma_start3A_238, %dma_start3A_239] : memref<10240x128xf32, #tpu.memory_space<vmem_shared>> -> memref<10240x128xf32, #tpu.memory_space<vmem_shared>>
        tpu.enqueue_indirect_dma source(%arg10 : memref<128x128xf32, #tpu.memory_space<vmem>>) target(%dma_start3A_240 : memref<10240x128xf32, #tpu.memory_space<vmem_shared>>) offsets(%dma_start3A_237 : memref<128xi32, #tpu.memory_space<vmem>>) semaphore(%run_scoped3A : memref<!tpu.dma_semaphore, #tpu.memory_space<semaphore_mem>>) {add = true}
        %dma_wait3A_241 = arith.constant 0 : i32
        %dma_wait3A_242 = tpu.memref_slice %arg7[%add3A_134, %dma_wait3A_241] : memref<80x128xi32, #tpu.memory_space<vmem>> -> memref<1x128xi32, #tpu.memory_space<vmem>>
        %dma_wait3A_243 = tpu.memref_squeeze %dma_wait3A_242 : memref<1x128xi32, #tpu.memory_space<vmem>> -> memref<128xi32, #tpu.memory_space<vmem>>
        %dma_wait3A_244 = arith.constant 0 : i32
        %dma_wait3A_245 = arith.constant 0 : i32
        %dma_wait3A_246 = tpu.memref_slice %arg11[%dma_wait3A_244, %dma_wait3A_245] : memref<10240x128xf32, #tpu.memory_space<vmem_shared>> -> memref<10240x128xf32, #tpu.memory_space<vmem_shared>>
        tpu.wait_indirect_dma semaphore(%run_scoped3A : memref<!tpu.dma_semaphore, #tpu.memory_space<semaphore_mem>>) src(%arg10 : memref<128x128xf32, #tpu.memory_space<vmem>>) dst(%dma_wait3A_246 : memref<10240x128xf32, #tpu.memory_space<vmem_shared>>)
        tpu.yield
      }) : () -> ()
    }
    %scan3A_124 = arith.constant 40 : i32
    %barrier3A_125 = arith.constant 0 : index
    tpu.barrier barrier_id(%barrier3A_125)
    %mul3A_126 = arith.constant 640 : i32
    %mul3A_127 = arith.muli %arg1, %mul3A_126 : i32
    %mul3A_128 = arith.constant 640 : i32
    %mul3A_129 = arith.muli %arg1, %mul3A_128 : i32
    "tpu.region"() ({
      %run_scoped3A = tpu.sem_alloc : memref<!tpu.dma_semaphore, #tpu.memory_space<semaphore_mem>>
      %dma_start3A_130 = arith.constant 0 : i32
      %dma_start3A_131 = arith.constant 0 : i32
      %dma_start3A_132 = tpu.memref_slice %arg6[%arg0, %dma_start3A_130, %dma_start3A_131] : memref<2x10240x128xf32, #tpu.memory_space<hbm>> -> memref<1x10240x128xf32, #tpu.memory_space<hbm>>
      %dma_start3A_133 = tpu.memref_squeeze %dma_start3A_132 : memref<1x10240x128xf32, #tpu.memory_space<hbm>> -> memref<10240x128xf32, #tpu.memory_space<hbm>>
      %dma_start3A_134 = arith.constant 0 : i32
      %dma_start3A_135 = tpu.memref_slice %dma_start3A_133[%mul3A_129, %dma_start3A_134] : memref<10240x128xf32, #tpu.memory_space<hbm>> -> memref<640x128xf32, #tpu.memory_space<hbm>>
      %dma_start3A_136 = arith.constant 0 : i32
      %dma_start3A_137 = tpu.memref_slice %arg11[%mul3A_127, %dma_start3A_136] : memref<10240x128xf32, #tpu.memory_space<vmem_shared>> -> memref<640x128xf32, #tpu.memory_space<vmem_shared>>
      tpu.enqueue_dma source(%dma_start3A_137 : memref<640x128xf32, #tpu.memory_space<vmem_shared>>) target(%dma_start3A_135 : memref<640x128xf32, #tpu.memory_space<hbm>>) target_semaphore(%run_scoped3A : memref<!tpu.dma_semaphore, #tpu.memory_space<semaphore_mem>>)
      %dma_wait3A_138 = arith.constant 0 : i32
      %dma_wait3A_139 = arith.constant 0 : i32
      %dma_wait3A_140 = tpu.memref_slice %arg6[%arg0, %dma_wait3A_138, %dma_wait3A_139] : memref<2x10240x128xf32, #tpu.memory_space<hbm>> -> memref<1x10240x128xf32, #tpu.memory_space<hbm>>
      %dma_wait3A_141 = tpu.memref_squeeze %dma_wait3A_140 : memref<1x10240x128xf32, #tpu.memory_space<hbm>> -> memref<10240x128xf32, #tpu.memory_space<hbm>>
      %dma_wait3A_142 = arith.constant 0 : i32
      %dma_wait3A_143 = tpu.memref_slice %dma_wait3A_141[%mul3A_129, %dma_wait3A_142] : memref<10240x128xf32, #tpu.memory_space<hbm>> -> memref<640x128xf32, #tpu.memory_space<hbm>>
      %dma_wait3A_144 = arith.constant 0 : i32
      %dma_wait3A_145 = tpu.memref_slice %arg11[%mul3A_127, %dma_wait3A_144] : memref<10240x128xf32, #tpu.memory_space<vmem_shared>> -> memref<640x128xf32, #tpu.memory_space<vmem_shared>>
      tpu.wait_dma2 semaphore(%run_scoped3A : memref<!tpu.dma_semaphore, #tpu.memory_space<semaphore_mem>>) src(%dma_wait3A_145 : memref<640x128xf32, #tpu.memory_space<vmem_shared>>) dst(%dma_wait3A_143 : memref<640x128xf32, #tpu.memory_space<hbm>>)
      tpu.yield
    }) : () -> ()
    return
  }
}

#map = affine_map<(d0, d1) -> (0, 0)>
#map1 = affine_map<(d0, d1) -> (0, 0, 0)>
module attributes {stable_mosaic.version = 14 : i64} {
  func.func @_deg_body(%arg0: i32, %arg1: i32, %arg2: memref<128x128xf32, #tpu.memory_space<hbm>>, %arg3: memref<32x80x128xi32, #tpu.memory_space<hbm>>, %arg4: memref<10240x128xf32, #tpu.memory_space<hbm>>, %arg5: memref<2x10240x128xf32, #tpu.memory_space<hbm>>, %arg6: memref<80x128xi32, #tpu.memory_space<vmem>>, %arg7: memref<128x128xf32, #tpu.memory_space<vmem>>, %arg8: memref<10240x128xf32, #tpu.memory_space<vmem_shared>>, %arg9: memref<!tpu.dma_semaphore, #tpu.memory_space<semaphore_mem>>) attributes {dimension_semantics = [#tpu.dimension_semantics<core_parallel>, #tpu.dimension_semantics<subcore_parallel>], iteration_bounds = array<i64: 2, 16>, scalar_prefetch = 0 : i64, scratch_operands = 4 : i64, tpu.core_type = #tpu.core_type<sc_vector_subcore>, window_params = [{transform_indices = #map}, {transform_indices = #map1}, {transform_indices = #map}, {transform_indices = #map1}]} {
    %mul3A = arith.constant 16 : i32
    %mul3A_0 = arith.muli %arg0, %mul3A : i32
    %add3A = arith.addi %mul3A_0, %arg1 : i32
    "tpu.region"() ({
      %run_scoped3A = tpu.sem_alloc : memref<!tpu.dma_semaphore, #tpu.memory_space<semaphore_mem>>
      %dma_start3A = arith.constant 0 : i32
      %dma_start3A_15 = arith.constant 0 : i32
      %dma_start3A_16 = tpu.memref_slice %arg3[%add3A, %dma_start3A, %dma_start3A_15] : memref<32x80x128xi32, #tpu.memory_space<hbm>> -> memref<1x80x128xi32, #tpu.memory_space<hbm>>
      %dma_start3A_17 = tpu.memref_squeeze %dma_start3A_16 : memref<1x80x128xi32, #tpu.memory_space<hbm>> -> memref<80x128xi32, #tpu.memory_space<hbm>>
      %dma_start3A_18 = arith.constant 0 : i32
      %dma_start3A_19 = arith.constant 0 : i32
      %dma_start3A_20 = tpu.memref_slice %arg3[%add3A, %dma_start3A_18, %dma_start3A_19] : memref<32x80x128xi32, #tpu.memory_space<hbm>> -> memref<1x80x128xi32, #tpu.memory_space<hbm>>
      %dma_start3A_21 = tpu.memref_squeeze %dma_start3A_20 : memref<1x80x128xi32, #tpu.memory_space<hbm>> -> memref<80x128xi32, #tpu.memory_space<hbm>>
      tpu.enqueue_dma source(%dma_start3A_21 : memref<80x128xi32, #tpu.memory_space<hbm>>) target(%arg6 : memref<80x128xi32, #tpu.memory_space<vmem>>) target_semaphore(%run_scoped3A : memref<!tpu.dma_semaphore, #tpu.memory_space<semaphore_mem>>)
      %dma_wait3A = arith.constant 0 : i32
      %dma_wait3A_22 = arith.constant 0 : i32
      %dma_wait3A_23 = tpu.memref_slice %arg3[%add3A, %dma_wait3A, %dma_wait3A_22] : memref<32x80x128xi32, #tpu.memory_space<hbm>> -> memref<1x80x128xi32, #tpu.memory_space<hbm>>
      %dma_wait3A_24 = tpu.memref_squeeze %dma_wait3A_23 : memref<1x80x128xi32, #tpu.memory_space<hbm>> -> memref<80x128xi32, #tpu.memory_space<hbm>>
      %dma_wait3A_25 = arith.constant 0 : i32
      %dma_wait3A_26 = arith.constant 0 : i32
      %dma_wait3A_27 = tpu.memref_slice %arg3[%add3A, %dma_wait3A_25, %dma_wait3A_26] : memref<32x80x128xi32, #tpu.memory_space<hbm>> -> memref<1x80x128xi32, #tpu.memory_space<hbm>>
      %dma_wait3A_28 = tpu.memref_squeeze %dma_wait3A_27 : memref<1x80x128xi32, #tpu.memory_space<hbm>> -> memref<80x128xi32, #tpu.memory_space<hbm>>
      tpu.wait_dma2 semaphore(%run_scoped3A : memref<!tpu.dma_semaphore, #tpu.memory_space<semaphore_mem>>) src(%dma_wait3A_28 : memref<80x128xi32, #tpu.memory_space<hbm>>) dst(%arg6 : memref<80x128xi32, #tpu.memory_space<vmem>>)
      tpu.yield
    }) : () -> ()
    "tpu.region"() ({
      %run_scoped3A = tpu.sem_alloc : memref<!tpu.dma_semaphore, #tpu.memory_space<semaphore_mem>>
      tpu.enqueue_dma source(%arg2 : memref<128x128xf32, #tpu.memory_space<hbm>>) target(%arg7 : memref<128x128xf32, #tpu.memory_space<vmem>>) target_semaphore(%run_scoped3A : memref<!tpu.dma_semaphore, #tpu.memory_space<semaphore_mem>>)
      tpu.wait_dma2 semaphore(%run_scoped3A : memref<!tpu.dma_semaphore, #tpu.memory_space<semaphore_mem>>) src(%arg2 : memref<128x128xf32, #tpu.memory_space<hbm>>) dst(%arg7 : memref<128x128xf32, #tpu.memory_space<vmem>>)
      tpu.yield
    }) : () -> ()
    %mul3A_1 = arith.constant 640 : i32
    %mul3A_2 = arith.muli %arg1, %mul3A_1 : i32
    %mul3A_3 = arith.constant 640 : i32
    %mul3A_4 = arith.muli %arg1, %mul3A_3 : i32
    "tpu.region"() ({
      %run_scoped3A = tpu.sem_alloc : memref<!tpu.dma_semaphore, #tpu.memory_space<semaphore_mem>>
      %dma_start3A = arith.constant 0 : i32
      %dma_start3A_15 = tpu.memref_slice %arg8[%mul3A_4, %dma_start3A] : memref<10240x128xf32, #tpu.memory_space<vmem_shared>> -> memref<640x128xf32, #tpu.memory_space<vmem_shared>>
      %dma_start3A_16 = arith.constant 0 : i32
      %dma_start3A_17 = tpu.memref_slice %arg4[%mul3A_2, %dma_start3A_16] : memref<10240x128xf32, #tpu.memory_space<hbm>> -> memref<640x128xf32, #tpu.memory_space<hbm>>
      tpu.enqueue_dma source(%dma_start3A_17 : memref<640x128xf32, #tpu.memory_space<hbm>>) target(%dma_start3A_15 : memref<640x128xf32, #tpu.memory_space<vmem_shared>>) target_semaphore(%run_scoped3A : memref<!tpu.dma_semaphore, #tpu.memory_space<semaphore_mem>>)
      %dma_wait3A = arith.constant 0 : i32
      %dma_wait3A_18 = tpu.memref_slice %arg8[%mul3A_4, %dma_wait3A] : memref<10240x128xf32, #tpu.memory_space<vmem_shared>> -> memref<640x128xf32, #tpu.memory_space<vmem_shared>>
      %dma_wait3A_19 = arith.constant 0 : i32
      %dma_wait3A_20 = tpu.memref_slice %arg4[%mul3A_2, %dma_wait3A_19] : memref<10240x128xf32, #tpu.memory_space<hbm>> -> memref<640x128xf32, #tpu.memory_space<hbm>>
      tpu.wait_dma2 semaphore(%run_scoped3A : memref<!tpu.dma_semaphore, #tpu.memory_space<semaphore_mem>>) src(%dma_wait3A_20 : memref<640x128xf32, #tpu.memory_space<hbm>>) dst(%dma_wait3A_18 : memref<640x128xf32, #tpu.memory_space<vmem_shared>>)
      tpu.yield
    }) : () -> ()
    %barrier3A = arith.constant 0 : index
    tpu.barrier barrier_id(%barrier3A)
    %scan3A = arith.constant 0 : i32
    %scan3A_5 = arith.constant 0 : i32
    %scan3A_6 = arith.constant 20 : i32
    %scan3A_7 = arith.addi %scan3A_5, %scan3A_6 : i32
    %scan3A_8 = arith.constant 1 : i32
    scf.for %scan3A_15 = %scan3A_5 to %scan3A_7 step %scan3A_8  : i32 {
      %mul3A_16 = arith.constant 4 : i32
      %mul3A_17 = arith.muli %scan3A_15, %mul3A_16 : i32
      %add3A_18 = arith.constant 0 : i32
      %add3A_19 = arith.addi %mul3A_17, %add3A_18 : i32
      %dma_start3A = arith.constant 0 : i32
      %dma_start3A_20 = tpu.memref_slice %arg6[%add3A_19, %dma_start3A] : memref<80x128xi32, #tpu.memory_space<vmem>> -> memref<1x128xi32, #tpu.memory_space<vmem>>
      %dma_start3A_21 = tpu.memref_squeeze %dma_start3A_20 : memref<1x128xi32, #tpu.memory_space<vmem>> -> memref<128xi32, #tpu.memory_space<vmem>>
      %dma_start3A_22 = arith.constant 0 : i32
      %dma_start3A_23 = arith.constant 0 : i32
      %dma_start3A_24 = tpu.memref_slice %arg8[%dma_start3A_22, %dma_start3A_23] : memref<10240x128xf32, #tpu.memory_space<vmem_shared>> -> memref<10240x128xf32, #tpu.memory_space<vmem_shared>>
      tpu.enqueue_indirect_dma source(%arg7 : memref<128x128xf32, #tpu.memory_space<vmem>>) target(%dma_start3A_24 : memref<10240x128xf32, #tpu.memory_space<vmem_shared>>) offsets(%dma_start3A_21 : memref<128xi32, #tpu.memory_space<vmem>>) semaphore(%arg9 : memref<!tpu.dma_semaphore, #tpu.memory_space<semaphore_mem>>) {add = true}
      %mul3A_25 = arith.constant 4 : i32
      %mul3A_26 = arith.muli %scan3A_15, %mul3A_25 : i32
      %add3A_27 = arith.constant 1 : i32
      %add3A_28 = arith.addi %mul3A_26, %add3A_27 : i32
      %dma_start3A_29 = arith.constant 0 : i32
      %dma_start3A_30 = tpu.memref_slice %arg6[%add3A_28, %dma_start3A_29] : memref<80x128xi32, #tpu.memory_space<vmem>> -> memref<1x128xi32, #tpu.memory_space<vmem>>
      %dma_start3A_31 = tpu.memref_squeeze %dma_start3A_30 : memref<1x128xi32, #tpu.memory_space<vmem>> -> memref<128xi32, #tpu.memory_space<vmem>>
      %dma_start3A_32 = arith.constant 0 : i32
      %dma_start3A_33 = arith.constant 0 : i32
      %dma_start3A_34 = tpu.memref_slice %arg8[%dma_start3A_32, %dma_start3A_33] : memref<10240x128xf32, #tpu.memory_space<vmem_shared>> -> memref<10240x128xf32, #tpu.memory_space<vmem_shared>>
      tpu.enqueue_indirect_dma source(%arg7 : memref<128x128xf32, #tpu.memory_space<vmem>>) target(%dma_start3A_34 : memref<10240x128xf32, #tpu.memory_space<vmem_shared>>) offsets(%dma_start3A_31 : memref<128xi32, #tpu.memory_space<vmem>>) semaphore(%arg9 : memref<!tpu.dma_semaphore, #tpu.memory_space<semaphore_mem>>) {add = true}
      %mul3A_35 = arith.constant 4 : i32
      %mul3A_36 = arith.muli %scan3A_15, %mul3A_35 : i32
      %add3A_37 = arith.constant 2 : i32
      %add3A_38 = arith.addi %mul3A_36, %add3A_37 : i32
      %dma_start3A_39 = arith.constant 0 : i32
      %dma_start3A_40 = tpu.memref_slice %arg6[%add3A_38, %dma_start3A_39] : memref<80x128xi32, #tpu.memory_space<vmem>> -> memref<1x128xi32, #tpu.memory_space<vmem>>
      %dma_start3A_41 = tpu.memref_squeeze %dma_start3A_40 : memref<1x128xi32, #tpu.memory_space<vmem>> -> memref<128xi32, #tpu.memory_space<vmem>>
      %dma_start3A_42 = arith.constant 0 : i32
      %dma_start3A_43 = arith.constant 0 : i32
      %dma_start3A_44 = tpu.memref_slice %arg8[%dma_start3A_42, %dma_start3A_43] : memref<10240x128xf32, #tpu.memory_space<vmem_shared>> -> memref<10240x128xf32, #tpu.memory_space<vmem_shared>>
      tpu.enqueue_indirect_dma source(%arg7 : memref<128x128xf32, #tpu.memory_space<vmem>>) target(%dma_start3A_44 : memref<10240x128xf32, #tpu.memory_space<vmem_shared>>) offsets(%dma_start3A_41 : memref<128xi32, #tpu.memory_space<vmem>>) semaphore(%arg9 : memref<!tpu.dma_semaphore, #tpu.memory_space<semaphore_mem>>) {add = true}
      %mul3A_45 = arith.constant 4 : i32
      %mul3A_46 = arith.muli %scan3A_15, %mul3A_45 : i32
      %add3A_47 = arith.constant 3 : i32
      %add3A_48 = arith.addi %mul3A_46, %add3A_47 : i32
      %dma_start3A_49 = arith.constant 0 : i32
      %dma_start3A_50 = tpu.memref_slice %arg6[%add3A_48, %dma_start3A_49] : memref<80x128xi32, #tpu.memory_space<vmem>> -> memref<1x128xi32, #tpu.memory_space<vmem>>
      %dma_start3A_51 = tpu.memref_squeeze %dma_start3A_50 : memref<1x128xi32, #tpu.memory_space<vmem>> -> memref<128xi32, #tpu.memory_space<vmem>>
      %dma_start3A_52 = arith.constant 0 : i32
      %dma_start3A_53 = arith.constant 0 : i32
      %dma_start3A_54 = tpu.memref_slice %arg8[%dma_start3A_52, %dma_start3A_53] : memref<10240x128xf32, #tpu.memory_space<vmem_shared>> -> memref<10240x128xf32, #tpu.memory_space<vmem_shared>>
      tpu.enqueue_indirect_dma source(%arg7 : memref<128x128xf32, #tpu.memory_space<vmem>>) target(%dma_start3A_54 : memref<10240x128xf32, #tpu.memory_space<vmem_shared>>) offsets(%dma_start3A_51 : memref<128xi32, #tpu.memory_space<vmem>>) semaphore(%arg9 : memref<!tpu.dma_semaphore, #tpu.memory_space<semaphore_mem>>) {add = true}
      %mul3A_55 = arith.constant 4 : i32
      %mul3A_56 = arith.muli %scan3A_15, %mul3A_55 : i32
      %add3A_57 = arith.constant 0 : i32
      %add3A_58 = arith.addi %mul3A_56, %add3A_57 : i32
      %dma_wait3A = arith.constant 0 : i32
      %dma_wait3A_59 = tpu.memref_slice %arg6[%add3A_58, %dma_wait3A] : memref<80x128xi32, #tpu.memory_space<vmem>> -> memref<1x128xi32, #tpu.memory_space<vmem>>
      %dma_wait3A_60 = tpu.memref_squeeze %dma_wait3A_59 : memref<1x128xi32, #tpu.memory_space<vmem>> -> memref<128xi32, #tpu.memory_space<vmem>>
      %dma_wait3A_61 = arith.constant 0 : i32
      %dma_wait3A_62 = arith.constant 0 : i32
      %dma_wait3A_63 = tpu.memref_slice %arg8[%dma_wait3A_61, %dma_wait3A_62] : memref<10240x128xf32, #tpu.memory_space<vmem_shared>> -> memref<10240x128xf32, #tpu.memory_space<vmem_shared>>
      tpu.wait_indirect_dma semaphore(%arg9 : memref<!tpu.dma_semaphore, #tpu.memory_space<semaphore_mem>>) src(%arg7 : memref<128x128xf32, #tpu.memory_space<vmem>>) dst(%dma_wait3A_63 : memref<10240x128xf32, #tpu.memory_space<vmem_shared>>)
      %mul3A_64 = arith.constant 4 : i32
      %mul3A_65 = arith.muli %scan3A_15, %mul3A_64 : i32
      %add3A_66 = arith.constant 1 : i32
      %add3A_67 = arith.addi %mul3A_65, %add3A_66 : i32
      %dma_wait3A_68 = arith.constant 0 : i32
      %dma_wait3A_69 = tpu.memref_slice %arg6[%add3A_67, %dma_wait3A_68] : memref<80x128xi32, #tpu.memory_space<vmem>> -> memref<1x128xi32, #tpu.memory_space<vmem>>
      %dma_wait3A_70 = tpu.memref_squeeze %dma_wait3A_69 : memref<1x128xi32, #tpu.memory_space<vmem>> -> memref<128xi32, #tpu.memory_space<vmem>>
      %dma_wait3A_71 = arith.constant 0 : i32
      %dma_wait3A_72 = arith.constant 0 : i32
      %dma_wait3A_73 = tpu.memref_slice %arg8[%dma_wait3A_71, %dma_wait3A_72] : memref<10240x128xf32, #tpu.memory_space<vmem_shared>> -> memref<10240x128xf32, #tpu.memory_space<vmem_shared>>
      tpu.wait_indirect_dma semaphore(%arg9 : memref<!tpu.dma_semaphore, #tpu.memory_space<semaphore_mem>>) src(%arg7 : memref<128x128xf32, #tpu.memory_space<vmem>>) dst(%dma_wait3A_73 : memref<10240x128xf32, #tpu.memory_space<vmem_shared>>)
      %mul3A_74 = arith.constant 4 : i32
      %mul3A_75 = arith.muli %scan3A_15, %mul3A_74 : i32
      %add3A_76 = arith.constant 2 : i32
      %add3A_77 = arith.addi %mul3A_75, %add3A_76 : i32
      %dma_wait3A_78 = arith.constant 0 : i32
      %dma_wait3A_79 = tpu.memref_slice %arg6[%add3A_77, %dma_wait3A_78] : memref<80x128xi32, #tpu.memory_space<vmem>> -> memref<1x128xi32, #tpu.memory_space<vmem>>
      %dma_wait3A_80 = tpu.memref_squeeze %dma_wait3A_79 : memref<1x128xi32, #tpu.memory_space<vmem>> -> memref<128xi32, #tpu.memory_space<vmem>>
      %dma_wait3A_81 = arith.constant 0 : i32
      %dma_wait3A_82 = arith.constant 0 : i32
      %dma_wait3A_83 = tpu.memref_slice %arg8[%dma_wait3A_81, %dma_wait3A_82] : memref<10240x128xf32, #tpu.memory_space<vmem_shared>> -> memref<10240x128xf32, #tpu.memory_space<vmem_shared>>
      tpu.wait_indirect_dma semaphore(%arg9 : memref<!tpu.dma_semaphore, #tpu.memory_space<semaphore_mem>>) src(%arg7 : memref<128x128xf32, #tpu.memory_space<vmem>>) dst(%dma_wait3A_83 : memref<10240x128xf32, #tpu.memory_space<vmem_shared>>)
      %mul3A_84 = arith.constant 4 : i32
      %mul3A_85 = arith.muli %scan3A_15, %mul3A_84 : i32
      %add3A_86 = arith.constant 3 : i32
      %add3A_87 = arith.addi %mul3A_85, %add3A_86 : i32
      %dma_wait3A_88 = arith.constant 0 : i32
      %dma_wait3A_89 = tpu.memref_slice %arg6[%add3A_87, %dma_wait3A_88] : memref<80x128xi32, #tpu.memory_space<vmem>> -> memref<1x128xi32, #tpu.memory_space<vmem>>
      %dma_wait3A_90 = tpu.memref_squeeze %dma_wait3A_89 : memref<1x128xi32, #tpu.memory_space<vmem>> -> memref<128xi32, #tpu.memory_space<vmem>>
      %dma_wait3A_91 = arith.constant 0 : i32
      %dma_wait3A_92 = arith.constant 0 : i32
      %dma_wait3A_93 = tpu.memref_slice %arg8[%dma_wait3A_91, %dma_wait3A_92] : memref<10240x128xf32, #tpu.memory_space<vmem_shared>> -> memref<10240x128xf32, #tpu.memory_space<vmem_shared>>
      tpu.wait_indirect_dma semaphore(%arg9 : memref<!tpu.dma_semaphore, #tpu.memory_space<semaphore_mem>>) src(%arg7 : memref<128x128xf32, #tpu.memory_space<vmem>>) dst(%dma_wait3A_93 : memref<10240x128xf32, #tpu.memory_space<vmem_shared>>)
    }
    %scan3A_9 = arith.constant 20 : i32
    %barrier3A_10 = arith.constant 0 : index
    tpu.barrier barrier_id(%barrier3A_10)
    %mul3A_11 = arith.constant 640 : i32
    %mul3A_12 = arith.muli %arg1, %mul3A_11 : i32
    %mul3A_13 = arith.constant 640 : i32
    %mul3A_14 = arith.muli %arg1, %mul3A_13 : i32
    "tpu.region"() ({
      %run_scoped3A = tpu.sem_alloc : memref<!tpu.dma_semaphore, #tpu.memory_space<semaphore_mem>>
      %dma_start3A = arith.constant 0 : i32
      %dma_start3A_15 = arith.constant 0 : i32
      %dma_start3A_16 = tpu.memref_slice %arg5[%arg0, %dma_start3A, %dma_start3A_15] : memref<2x10240x128xf32, #tpu.memory_space<hbm>> -> memref<1x10240x128xf32, #tpu.memory_space<hbm>>
      %dma_start3A_17 = tpu.memref_squeeze %dma_start3A_16 : memref<1x10240x128xf32, #tpu.memory_space<hbm>> -> memref<10240x128xf32, #tpu.memory_space<hbm>>
      %dma_start3A_18 = arith.constant 0 : i32
      %dma_start3A_19 = tpu.memref_slice %dma_start3A_17[%mul3A_14, %dma_start3A_18] : memref<10240x128xf32, #tpu.memory_space<hbm>> -> memref<640x128xf32, #tpu.memory_space<hbm>>
      %dma_start3A_20 = arith.constant 0 : i32
      %dma_start3A_21 = tpu.memref_slice %arg8[%mul3A_12, %dma_start3A_20] : memref<10240x128xf32, #tpu.memory_space<vmem_shared>> -> memref<640x128xf32, #tpu.memory_space<vmem_shared>>
      tpu.enqueue_dma source(%dma_start3A_21 : memref<640x128xf32, #tpu.memory_space<vmem_shared>>) target(%dma_start3A_19 : memref<640x128xf32, #tpu.memory_space<hbm>>) target_semaphore(%run_scoped3A : memref<!tpu.dma_semaphore, #tpu.memory_space<semaphore_mem>>)
      %dma_wait3A = arith.constant 0 : i32
      %dma_wait3A_22 = arith.constant 0 : i32
      %dma_wait3A_23 = tpu.memref_slice %arg5[%arg0, %dma_wait3A, %dma_wait3A_22] : memref<2x10240x128xf32, #tpu.memory_space<hbm>> -> memref<1x10240x128xf32, #tpu.memory_space<hbm>>
      %dma_wait3A_24 = tpu.memref_squeeze %dma_wait3A_23 : memref<1x10240x128xf32, #tpu.memory_space<hbm>> -> memref<10240x128xf32, #tpu.memory_space<hbm>>
      %dma_wait3A_25 = arith.constant 0 : i32
      %dma_wait3A_26 = tpu.memref_slice %dma_wait3A_24[%mul3A_14, %dma_wait3A_25] : memref<10240x128xf32, #tpu.memory_space<hbm>> -> memref<640x128xf32, #tpu.memory_space<hbm>>
      %dma_wait3A_27 = arith.constant 0 : i32
      %dma_wait3A_28 = tpu.memref_slice %arg8[%mul3A_12, %dma_wait3A_27] : memref<10240x128xf32, #tpu.memory_space<vmem_shared>> -> memref<640x128xf32, #tpu.memory_space<vmem_shared>>
      tpu.wait_dma2 semaphore(%run_scoped3A : memref<!tpu.dma_semaphore, #tpu.memory_space<semaphore_mem>>) src(%dma_wait3A_28 : memref<640x128xf32, #tpu.memory_space<vmem_shared>>) dst(%dma_wait3A_26 : memref<640x128xf32, #tpu.memory_space<hbm>>)
      tpu.yield
    }) : () -> ()
    return
  }
}

#map = affine_map<(d0, d1) -> (0, 0)>
#map1 = affine_map<(d0, d1) -> (0, 0, 0)>
module attributes {stable_mosaic.version = 14 : i64} {
  func.func @body(%arg0: i32, %arg1: i32, %arg2: memref<10240x128xf32, #tpu.memory_space<hbm>>, %arg3: memref<32x80x128xi32, #tpu.memory_space<hbm>>, %arg4: memref<32x80x128xi32, #tpu.memory_space<hbm>>, %arg5: memref<10240x128xf32, #tpu.memory_space<hbm>>, %arg6: memref<2x10240x128xf32, #tpu.memory_space<hbm>>, %arg7: memref<80x128xi32, #tpu.memory_space<vmem>>, %arg8: memref<4x128xi32, #tpu.memory_space<vmem>>, %arg9: memref<128x128xf32, #tpu.memory_space<vmem>>, %arg10: memref<128x128xf32, #tpu.memory_space<vmem>>, %arg11: memref<10240x128xf32, #tpu.memory_space<vmem_shared>>, %arg12: memref<!tpu.dma_semaphore, #tpu.memory_space<semaphore_mem>>, %arg13: memref<!tpu.dma_semaphore, #tpu.memory_space<semaphore_mem>>, %arg14: memref<!tpu.dma_semaphore, #tpu.memory_space<semaphore_mem>>) attributes {dimension_semantics = [#tpu.dimension_semantics<core_parallel>, #tpu.dimension_semantics<subcore_parallel>], iteration_bounds = array<i64: 2, 16>, scalar_prefetch = 0 : i64, scratch_operands = 8 : i64, tpu.core_type = #tpu.core_type<sc_vector_subcore>, window_params = [{transform_indices = #map}, {transform_indices = #map1}, {transform_indices = #map1}, {transform_indices = #map}, {transform_indices = #map1}]} {
    %mul3A = arith.constant 16 : i32
    %mul3A_0 = arith.muli %arg0, %mul3A : i32
    %add3A = arith.addi %mul3A_0, %arg1 : i32
    "tpu.region"() ({
      %run_scoped3A = tpu.sem_alloc : memref<!tpu.dma_semaphore, #tpu.memory_space<semaphore_mem>>
      %dma_start3A_130 = arith.constant 0 : i32
      %dma_start3A_131 = arith.constant 0 : i32
      %dma_start3A_132 = tpu.memref_slice %arg4[%add3A, %dma_start3A_130, %dma_start3A_131] : memref<32x80x128xi32, #tpu.memory_space<hbm>> -> memref<1x80x128xi32, #tpu.memory_space<hbm>>
      %dma_start3A_133 = tpu.memref_squeeze %dma_start3A_132 : memref<1x80x128xi32, #tpu.memory_space<hbm>> -> memref<80x128xi32, #tpu.memory_space<hbm>>
      %dma_start3A_134 = arith.constant 0 : i32
      %dma_start3A_135 = arith.constant 0 : i32
      %dma_start3A_136 = tpu.memref_slice %arg4[%add3A, %dma_start3A_134, %dma_start3A_135] : memref<32x80x128xi32, #tpu.memory_space<hbm>> -> memref<1x80x128xi32, #tpu.memory_space<hbm>>
      %dma_start3A_137 = tpu.memref_squeeze %dma_start3A_136 : memref<1x80x128xi32, #tpu.memory_space<hbm>> -> memref<80x128xi32, #tpu.memory_space<hbm>>
      tpu.enqueue_dma source(%dma_start3A_137 : memref<80x128xi32, #tpu.memory_space<hbm>>) target(%arg7 : memref<80x128xi32, #tpu.memory_space<vmem>>) target_semaphore(%run_scoped3A : memref<!tpu.dma_semaphore, #tpu.memory_space<semaphore_mem>>)
      %dma_wait3A_138 = arith.constant 0 : i32
      %dma_wait3A_139 = arith.constant 0 : i32
      %dma_wait3A_140 = tpu.memref_slice %arg4[%add3A, %dma_wait3A_138, %dma_wait3A_139] : memref<32x80x128xi32, #tpu.memory_space<hbm>> -> memref<1x80x128xi32, #tpu.memory_space<hbm>>
      %dma_wait3A_141 = tpu.memref_squeeze %dma_wait3A_140 : memref<1x80x128xi32, #tpu.memory_space<hbm>> -> memref<80x128xi32, #tpu.memory_space<hbm>>
      %dma_wait3A_142 = arith.constant 0 : i32
      %dma_wait3A_143 = arith.constant 0 : i32
      %dma_wait3A_144 = tpu.memref_slice %arg4[%add3A, %dma_wait3A_142, %dma_wait3A_143] : memref<32x80x128xi32, #tpu.memory_space<hbm>> -> memref<1x80x128xi32, #tpu.memory_space<hbm>>
      %dma_wait3A_145 = tpu.memref_squeeze %dma_wait3A_144 : memref<1x80x128xi32, #tpu.memory_space<hbm>> -> memref<80x128xi32, #tpu.memory_space<hbm>>
      tpu.wait_dma2 semaphore(%run_scoped3A : memref<!tpu.dma_semaphore, #tpu.memory_space<semaphore_mem>>) src(%dma_wait3A_145 : memref<80x128xi32, #tpu.memory_space<hbm>>) dst(%arg7 : memref<80x128xi32, #tpu.memory_space<vmem>>)
      tpu.yield
    }) : () -> ()
    %mul3A_1 = arith.constant 640 : i32
    %mul3A_2 = arith.muli %arg1, %mul3A_1 : i32
    %mul3A_3 = arith.constant 640 : i32
    %mul3A_4 = arith.muli %arg1, %mul3A_3 : i32
    "tpu.region"() ({
      %run_scoped3A = tpu.sem_alloc : memref<!tpu.dma_semaphore, #tpu.memory_space<semaphore_mem>>
      %dma_start3A_130 = arith.constant 0 : i32
      %dma_start3A_131 = tpu.memref_slice %arg11[%mul3A_4, %dma_start3A_130] : memref<10240x128xf32, #tpu.memory_space<vmem_shared>> -> memref<640x128xf32, #tpu.memory_space<vmem_shared>>
      %dma_start3A_132 = arith.constant 0 : i32
      %dma_start3A_133 = tpu.memref_slice %arg5[%mul3A_2, %dma_start3A_132] : memref<10240x128xf32, #tpu.memory_space<hbm>> -> memref<640x128xf32, #tpu.memory_space<hbm>>
      tpu.enqueue_dma source(%dma_start3A_133 : memref<640x128xf32, #tpu.memory_space<hbm>>) target(%dma_start3A_131 : memref<640x128xf32, #tpu.memory_space<vmem_shared>>) target_semaphore(%run_scoped3A : memref<!tpu.dma_semaphore, #tpu.memory_space<semaphore_mem>>)
      %dma_wait3A_134 = arith.constant 0 : i32
      %dma_wait3A_135 = tpu.memref_slice %arg11[%mul3A_4, %dma_wait3A_134] : memref<10240x128xf32, #tpu.memory_space<vmem_shared>> -> memref<640x128xf32, #tpu.memory_space<vmem_shared>>
      %dma_wait3A_136 = arith.constant 0 : i32
      %dma_wait3A_137 = tpu.memref_slice %arg5[%mul3A_2, %dma_wait3A_136] : memref<10240x128xf32, #tpu.memory_space<hbm>> -> memref<640x128xf32, #tpu.memory_space<hbm>>
      tpu.wait_dma2 semaphore(%run_scoped3A : memref<!tpu.dma_semaphore, #tpu.memory_space<semaphore_mem>>) src(%dma_wait3A_137 : memref<640x128xf32, #tpu.memory_space<hbm>>) dst(%dma_wait3A_135 : memref<640x128xf32, #tpu.memory_space<vmem_shared>>)
      tpu.yield
    }) : () -> ()
    %barrier3A = arith.constant 0 : index
    tpu.barrier barrier_id(%barrier3A)
    %dma_start3A = arith.constant 0 : i32
    %dma_start3A_5 = arith.constant 0 : i32
    %dma_start3A_6 = arith.constant 0 : i32
    %dma_start3A_7 = tpu.memref_slice %arg8[%dma_start3A_5, %dma_start3A_6] : memref<4x128xi32, #tpu.memory_space<vmem>> -> memref<1x128xi32, #tpu.memory_space<vmem>>
    %dma_start3A_8 = tpu.memref_squeeze %dma_start3A_7 : memref<1x128xi32, #tpu.memory_space<vmem>> -> memref<128xi32, #tpu.memory_space<vmem>>
    %dma_start3A_9 = arith.constant 0 : i32
    %dma_start3A_10 = arith.constant 0 : i32
    %dma_start3A_11 = tpu.memref_slice %arg3[%add3A, %dma_start3A_9, %dma_start3A_10] : memref<32x80x128xi32, #tpu.memory_space<hbm>> -> memref<1x80x128xi32, #tpu.memory_space<hbm>>
    %dma_start3A_12 = tpu.memref_squeeze %dma_start3A_11 : memref<1x80x128xi32, #tpu.memory_space<hbm>> -> memref<80x128xi32, #tpu.memory_space<hbm>>
    %dma_start3A_13 = arith.constant 0 : i32
    %dma_start3A_14 = tpu.memref_slice %dma_start3A_12[%dma_start3A, %dma_start3A_13] : memref<80x128xi32, #tpu.memory_space<hbm>> -> memref<1x128xi32, #tpu.memory_space<hbm>>
    %dma_start3A_15 = tpu.memref_squeeze %dma_start3A_14 : memref<1x128xi32, #tpu.memory_space<hbm>> -> memref<128xi32, #tpu.memory_space<hbm>>
    %dma_start3A_16 = arith.constant 0 : i32
    %dma_start3A_17 = tpu.memref_slice %arg8[%dma_start3A_5, %dma_start3A_16] : memref<4x128xi32, #tpu.memory_space<vmem>> -> memref<1x128xi32, #tpu.memory_space<vmem>>
    %dma_start3A_18 = tpu.memref_squeeze %dma_start3A_17 : memref<1x128xi32, #tpu.memory_space<vmem>> -> memref<128xi32, #tpu.memory_space<vmem>>
    %dma_start3A_19 = arith.constant 0 : i32
    %dma_start3A_20 = arith.constant 0 : i32
    %dma_start3A_21 = tpu.memref_slice %arg3[%add3A, %dma_start3A_19, %dma_start3A_20] : memref<32x80x128xi32, #tpu.memory_space<hbm>> -> memref<1x80x128xi32, #tpu.memory_space<hbm>>
    %dma_start3A_22 = tpu.memref_squeeze %dma_start3A_21 : memref<1x80x128xi32, #tpu.memory_space<hbm>> -> memref<80x128xi32, #tpu.memory_space<hbm>>
    %dma_start3A_23 = arith.constant 0 : i32
    %dma_start3A_24 = tpu.memref_slice %dma_start3A_22[%dma_start3A, %dma_start3A_23] : memref<80x128xi32, #tpu.memory_space<hbm>> -> memref<1x128xi32, #tpu.memory_space<hbm>>
    %dma_start3A_25 = tpu.memref_squeeze %dma_start3A_24 : memref<1x128xi32, #tpu.memory_space<hbm>> -> memref<128xi32, #tpu.memory_space<hbm>>
    tpu.enqueue_dma source(%dma_start3A_25 : memref<128xi32, #tpu.memory_space<hbm>>) target(%dma_start3A_18 : memref<128xi32, #tpu.memory_space<vmem>>) target_semaphore(%arg14 : memref<!tpu.dma_semaphore, #tpu.memory_space<semaphore_mem>>)
    %dma_start3A_26 = arith.constant 1 : i32
    %dma_start3A_27 = arith.constant 1 : i32
    %dma_start3A_28 = arith.constant 0 : i32
    %dma_start3A_29 = tpu.memref_slice %arg8[%dma_start3A_27, %dma_start3A_28] : memref<4x128xi32, #tpu.memory_space<vmem>> -> memref<1x128xi32, #tpu.memory_space<vmem>>
    %dma_start3A_30 = tpu.memref_squeeze %dma_start3A_29 : memref<1x128xi32, #tpu.memory_space<vmem>> -> memref<128xi32, #tpu.memory_space<vmem>>
    %dma_start3A_31 = arith.constant 0 : i32
    %dma_start3A_32 = arith.constant 0 : i32
    %dma_start3A_33 = tpu.memref_slice %arg3[%add3A, %dma_start3A_31, %dma_start3A_32] : memref<32x80x128xi32, #tpu.memory_space<hbm>> -> memref<1x80x128xi32, #tpu.memory_space<hbm>>
    %dma_start3A_34 = tpu.memref_squeeze %dma_start3A_33 : memref<1x80x128xi32, #tpu.memory_space<hbm>> -> memref<80x128xi32, #tpu.memory_space<hbm>>
    %dma_start3A_35 = arith.constant 0 : i32
    %dma_start3A_36 = tpu.memref_slice %dma_start3A_34[%dma_start3A_26, %dma_start3A_35] : memref<80x128xi32, #tpu.memory_space<hbm>> -> memref<1x128xi32, #tpu.memory_space<hbm>>
    %dma_start3A_37 = tpu.memref_squeeze %dma_start3A_36 : memref<1x128xi32, #tpu.memory_space<hbm>> -> memref<128xi32, #tpu.memory_space<hbm>>
    %dma_start3A_38 = arith.constant 0 : i32
    %dma_start3A_39 = tpu.memref_slice %arg8[%dma_start3A_27, %dma_start3A_38] : memref<4x128xi32, #tpu.memory_space<vmem>> -> memref<1x128xi32, #tpu.memory_space<vmem>>
    %dma_start3A_40 = tpu.memref_squeeze %dma_start3A_39 : memref<1x128xi32, #tpu.memory_space<vmem>> -> memref<128xi32, #tpu.memory_space<vmem>>
    %dma_start3A_41 = arith.constant 0 : i32
    %dma_start3A_42 = arith.constant 0 : i32
    %dma_start3A_43 = tpu.memref_slice %arg3[%add3A, %dma_start3A_41, %dma_start3A_42] : memref<32x80x128xi32, #tpu.memory_space<hbm>> -> memref<1x80x128xi32, #tpu.memory_space<hbm>>
    %dma_start3A_44 = tpu.memref_squeeze %dma_start3A_43 : memref<1x80x128xi32, #tpu.memory_space<hbm>> -> memref<80x128xi32, #tpu.memory_space<hbm>>
    %dma_start3A_45 = arith.constant 0 : i32
    %dma_start3A_46 = tpu.memref_slice %dma_start3A_44[%dma_start3A_26, %dma_start3A_45] : memref<80x128xi32, #tpu.memory_space<hbm>> -> memref<1x128xi32, #tpu.memory_space<hbm>>
    %dma_start3A_47 = tpu.memref_squeeze %dma_start3A_46 : memref<1x128xi32, #tpu.memory_space<hbm>> -> memref<128xi32, #tpu.memory_space<hbm>>
    tpu.enqueue_dma source(%dma_start3A_47 : memref<128xi32, #tpu.memory_space<hbm>>) target(%dma_start3A_40 : memref<128xi32, #tpu.memory_space<vmem>>) target_semaphore(%arg14 : memref<!tpu.dma_semaphore, #tpu.memory_space<semaphore_mem>>)
    %dma_start3A_48 = arith.constant 2 : i32
    %dma_start3A_49 = arith.constant 2 : i32
    %dma_start3A_50 = arith.constant 0 : i32
    %dma_start3A_51 = tpu.memref_slice %arg8[%dma_start3A_49, %dma_start3A_50] : memref<4x128xi32, #tpu.memory_space<vmem>> -> memref<1x128xi32, #tpu.memory_space<vmem>>
    %dma_start3A_52 = tpu.memref_squeeze %dma_start3A_51 : memref<1x128xi32, #tpu.memory_space<vmem>> -> memref<128xi32, #tpu.memory_space<vmem>>
    %dma_start3A_53 = arith.constant 0 : i32
    %dma_start3A_54 = arith.constant 0 : i32
    %dma_start3A_55 = tpu.memref_slice %arg3[%add3A, %dma_start3A_53, %dma_start3A_54] : memref<32x80x128xi32, #tpu.memory_space<hbm>> -> memref<1x80x128xi32, #tpu.memory_space<hbm>>
    %dma_start3A_56 = tpu.memref_squeeze %dma_start3A_55 : memref<1x80x128xi32, #tpu.memory_space<hbm>> -> memref<80x128xi32, #tpu.memory_space<hbm>>
    %dma_start3A_57 = arith.constant 0 : i32
    %dma_start3A_58 = tpu.memref_slice %dma_start3A_56[%dma_start3A_48, %dma_start3A_57] : memref<80x128xi32, #tpu.memory_space<hbm>> -> memref<1x128xi32, #tpu.memory_space<hbm>>
    %dma_start3A_59 = tpu.memref_squeeze %dma_start3A_58 : memref<1x128xi32, #tpu.memory_space<hbm>> -> memref<128xi32, #tpu.memory_space<hbm>>
    %dma_start3A_60 = arith.constant 0 : i32
    %dma_start3A_61 = tpu.memref_slice %arg8[%dma_start3A_49, %dma_start3A_60] : memref<4x128xi32, #tpu.memory_space<vmem>> -> memref<1x128xi32, #tpu.memory_space<vmem>>
    %dma_start3A_62 = tpu.memref_squeeze %dma_start3A_61 : memref<1x128xi32, #tpu.memory_space<vmem>> -> memref<128xi32, #tpu.memory_space<vmem>>
    %dma_start3A_63 = arith.constant 0 : i32
    %dma_start3A_64 = arith.constant 0 : i32
    %dma_start3A_65 = tpu.memref_slice %arg3[%add3A, %dma_start3A_63, %dma_start3A_64] : memref<32x80x128xi32, #tpu.memory_space<hbm>> -> memref<1x80x128xi32, #tpu.memory_space<hbm>>
    %dma_start3A_66 = tpu.memref_squeeze %dma_start3A_65 : memref<1x80x128xi32, #tpu.memory_space<hbm>> -> memref<80x128xi32, #tpu.memory_space<hbm>>
    %dma_start3A_67 = arith.constant 0 : i32
    %dma_start3A_68 = tpu.memref_slice %dma_start3A_66[%dma_start3A_48, %dma_start3A_67] : memref<80x128xi32, #tpu.memory_space<hbm>> -> memref<1x128xi32, #tpu.memory_space<hbm>>
    %dma_start3A_69 = tpu.memref_squeeze %dma_start3A_68 : memref<1x128xi32, #tpu.memory_space<hbm>> -> memref<128xi32, #tpu.memory_space<hbm>>
    tpu.enqueue_dma source(%dma_start3A_69 : memref<128xi32, #tpu.memory_space<hbm>>) target(%dma_start3A_62 : memref<128xi32, #tpu.memory_space<vmem>>) target_semaphore(%arg14 : memref<!tpu.dma_semaphore, #tpu.memory_space<semaphore_mem>>)
    %dma_start3A_70 = arith.constant 3 : i32
    %dma_start3A_71 = arith.constant 3 : i32
    %dma_start3A_72 = arith.constant 0 : i32
    %dma_start3A_73 = tpu.memref_slice %arg8[%dma_start3A_71, %dma_start3A_72] : memref<4x128xi32, #tpu.memory_space<vmem>> -> memref<1x128xi32, #tpu.memory_space<vmem>>
    %dma_start3A_74 = tpu.memref_squeeze %dma_start3A_73 : memref<1x128xi32, #tpu.memory_space<vmem>> -> memref<128xi32, #tpu.memory_space<vmem>>
    %dma_start3A_75 = arith.constant 0 : i32
    %dma_start3A_76 = arith.constant 0 : i32
    %dma_start3A_77 = tpu.memref_slice %arg3[%add3A, %dma_start3A_75, %dma_start3A_76] : memref<32x80x128xi32, #tpu.memory_space<hbm>> -> memref<1x80x128xi32, #tpu.memory_space<hbm>>
    %dma_start3A_78 = tpu.memref_squeeze %dma_start3A_77 : memref<1x80x128xi32, #tpu.memory_space<hbm>> -> memref<80x128xi32, #tpu.memory_space<hbm>>
    %dma_start3A_79 = arith.constant 0 : i32
    %dma_start3A_80 = tpu.memref_slice %dma_start3A_78[%dma_start3A_70, %dma_start3A_79] : memref<80x128xi32, #tpu.memory_space<hbm>> -> memref<1x128xi32, #tpu.memory_space<hbm>>
    %dma_start3A_81 = tpu.memref_squeeze %dma_start3A_80 : memref<1x128xi32, #tpu.memory_space<hbm>> -> memref<128xi32, #tpu.memory_space<hbm>>
    %dma_start3A_82 = arith.constant 0 : i32
    %dma_start3A_83 = tpu.memref_slice %arg8[%dma_start3A_71, %dma_start3A_82] : memref<4x128xi32, #tpu.memory_space<vmem>> -> memref<1x128xi32, #tpu.memory_space<vmem>>
    %dma_start3A_84 = tpu.memref_squeeze %dma_start3A_83 : memref<1x128xi32, #tpu.memory_space<vmem>> -> memref<128xi32, #tpu.memory_space<vmem>>
    %dma_start3A_85 = arith.constant 0 : i32
    %dma_start3A_86 = arith.constant 0 : i32
    %dma_start3A_87 = tpu.memref_slice %arg3[%add3A, %dma_start3A_85, %dma_start3A_86] : memref<32x80x128xi32, #tpu.memory_space<hbm>> -> memref<1x80x128xi32, #tpu.memory_space<hbm>>
    %dma_start3A_88 = tpu.memref_squeeze %dma_start3A_87 : memref<1x80x128xi32, #tpu.memory_space<hbm>> -> memref<80x128xi32, #tpu.memory_space<hbm>>
    %dma_start3A_89 = arith.constant 0 : i32
    %dma_start3A_90 = tpu.memref_slice %dma_start3A_88[%dma_start3A_70, %dma_start3A_89] : memref<80x128xi32, #tpu.memory_space<hbm>> -> memref<1x128xi32, #tpu.memory_space<hbm>>
    %dma_start3A_91 = tpu.memref_squeeze %dma_start3A_90 : memref<1x128xi32, #tpu.memory_space<hbm>> -> memref<128xi32, #tpu.memory_space<hbm>>
    tpu.enqueue_dma source(%dma_start3A_91 : memref<128xi32, #tpu.memory_space<hbm>>) target(%dma_start3A_84 : memref<128xi32, #tpu.memory_space<vmem>>) target_semaphore(%arg14 : memref<!tpu.dma_semaphore, #tpu.memory_space<semaphore_mem>>)
    %dma_wait3A = arith.constant 0 : i32
    %dma_wait3A_92 = arith.constant 0 : i32
    %dma_wait3A_93 = arith.constant 0 : i32
    %dma_wait3A_94 = tpu.memref_slice %arg8[%dma_wait3A_92, %dma_wait3A_93] : memref<4x128xi32, #tpu.memory_space<vmem>> -> memref<1x128xi32, #tpu.memory_space<vmem>>
    %dma_wait3A_95 = tpu.memref_squeeze %dma_wait3A_94 : memref<1x128xi32, #tpu.memory_space<vmem>> -> memref<128xi32, #tpu.memory_space<vmem>>
    %dma_wait3A_96 = arith.constant 0 : i32
    %dma_wait3A_97 = arith.constant 0 : i32
    %dma_wait3A_98 = tpu.memref_slice %arg3[%add3A, %dma_wait3A_96, %dma_wait3A_97] : memref<32x80x128xi32, #tpu.memory_space<hbm>> -> memref<1x80x128xi32, #tpu.memory_space<hbm>>
    %dma_wait3A_99 = tpu.memref_squeeze %dma_wait3A_98 : memref<1x80x128xi32, #tpu.memory_space<hbm>> -> memref<80x128xi32, #tpu.memory_space<hbm>>
    %dma_wait3A_100 = arith.constant 0 : i32
    %dma_wait3A_101 = tpu.memref_slice %dma_wait3A_99[%dma_wait3A, %dma_wait3A_100] : memref<80x128xi32, #tpu.memory_space<hbm>> -> memref<1x128xi32, #tpu.memory_space<hbm>>
    %dma_wait3A_102 = tpu.memref_squeeze %dma_wait3A_101 : memref<1x128xi32, #tpu.memory_space<hbm>> -> memref<128xi32, #tpu.memory_space<hbm>>
    %dma_wait3A_103 = arith.constant 0 : i32
    %dma_wait3A_104 = tpu.memref_slice %arg8[%dma_wait3A_92, %dma_wait3A_103] : memref<4x128xi32, #tpu.memory_space<vmem>> -> memref<1x128xi32, #tpu.memory_space<vmem>>
    %dma_wait3A_105 = tpu.memref_squeeze %dma_wait3A_104 : memref<1x128xi32, #tpu.memory_space<vmem>> -> memref<128xi32, #tpu.memory_space<vmem>>
    %dma_wait3A_106 = arith.constant 0 : i32
    %dma_wait3A_107 = arith.constant 0 : i32
    %dma_wait3A_108 = tpu.memref_slice %arg3[%add3A, %dma_wait3A_106, %dma_wait3A_107] : memref<32x80x128xi32, #tpu.memory_space<hbm>> -> memref<1x80x128xi32, #tpu.memory_space<hbm>>
    %dma_wait3A_109 = tpu.memref_squeeze %dma_wait3A_108 : memref<1x80x128xi32, #tpu.memory_space<hbm>> -> memref<80x128xi32, #tpu.memory_space<hbm>>
    %dma_wait3A_110 = arith.constant 0 : i32
    %dma_wait3A_111 = tpu.memref_slice %dma_wait3A_109[%dma_wait3A, %dma_wait3A_110] : memref<80x128xi32, #tpu.memory_space<hbm>> -> memref<1x128xi32, #tpu.memory_space<hbm>>
    %dma_wait3A_112 = tpu.memref_squeeze %dma_wait3A_111 : memref<1x128xi32, #tpu.memory_space<hbm>> -> memref<128xi32, #tpu.memory_space<hbm>>
    tpu.wait_dma2 semaphore(%arg14 : memref<!tpu.dma_semaphore, #tpu.memory_space<semaphore_mem>>) src(%dma_wait3A_112 : memref<128xi32, #tpu.memory_space<hbm>>) dst(%dma_wait3A_105 : memref<128xi32, #tpu.memory_space<vmem>>)
    %dma_start3A_113 = arith.constant 0 : i32
    %dma_start3A_114 = arith.constant 0 : i32
    %dma_start3A_115 = tpu.memref_slice %arg8[%dma_start3A_113, %dma_start3A_114] : memref<4x128xi32, #tpu.memory_space<vmem>> -> memref<1x128xi32, #tpu.memory_space<vmem>>
    %dma_start3A_116 = tpu.memref_squeeze %dma_start3A_115 : memref<1x128xi32, #tpu.memory_space<vmem>> -> memref<128xi32, #tpu.memory_space<vmem>>
    %dma_start3A_117 = arith.constant 0 : i32
    %dma_start3A_118 = arith.constant 0 : i32
    %dma_start3A_119 = tpu.memref_slice %arg2[%dma_start3A_117, %dma_start3A_118] : memref<10240x128xf32, #tpu.memory_space<hbm>> -> memref<10240x128xf32, #tpu.memory_space<hbm>>
    tpu.enqueue_indirect_dma source(%dma_start3A_119 : memref<10240x128xf32, #tpu.memory_space<hbm>>) target(%arg9 : memref<128x128xf32, #tpu.memory_space<vmem>>) offsets(%dma_start3A_116 : memref<128xi32, #tpu.memory_space<vmem>>) semaphore(%arg12 : memref<!tpu.dma_semaphore, #tpu.memory_space<semaphore_mem>>)
    %scan3A = arith.constant 0 : i32
    %scan3A_120 = arith.constant 0 : i32
    %scan3A_121 = arith.constant 40 : i32
    %scan3A_122 = arith.addi %scan3A_120, %scan3A_121 : i32
    %scan3A_123 = arith.constant 1 : i32
    scf.for %scan3A_130 = %scan3A_120 to %scan3A_122 step %scan3A_123  : i32 {
      %mul3A_131 = arith.constant 2 : i32
      %mul3A_132 = arith.muli %mul3A_131, %scan3A_130 : i32
      %add3A_133 = arith.constant 1 : i32
      %add3A_134 = arith.addi %mul3A_132, %add3A_133 : i32
      %jit3A = arith.constant 4 : i32
      %eq3A = arith.constant 0 : i32
      %eq3A_135 = arith.cmpi eq, %jit3A, %eq3A : i32
      %jit3A_136 = arith.constant 1 : i32
      %select_n3A = arith.select %eq3A_135, %jit3A_136, %jit3A : i32
      %rem3A = arith.remsi %mul3A_132, %select_n3A : i32
      %ne3A = arith.constant 0 : i32
      %ne3A_137 = arith.cmpi ne, %rem3A, %ne3A : i32
      %lt3A = arith.constant 0 : i32
      %lt3A_138 = arith.cmpi slt, %rem3A, %lt3A : i32
      %lt3A_139 = arith.constant 0 : i32
      %lt3A_140 = arith.cmpi slt, %select_n3A, %lt3A_139 : i32
      %ne3A_141 = arith.xori %lt3A_138, %lt3A_140 : i1
      %and3A = arith.andi %ne3A_141, %ne3A_137 : i1
      %add3A_142 = arith.addi %rem3A, %select_n3A : i32
      %select_n3A_143 = arith.select %and3A, %add3A_142, %rem3A : i32
      %dma_wait3A_144 = arith.constant 0 : i32
      %dma_wait3A_145 = tpu.memref_slice %arg8[%select_n3A_143, %dma_wait3A_144] : memref<4x128xi32, #tpu.memory_space<vmem>> -> memref<1x128xi32, #tpu.memory_space<vmem>>
      %dma_wait3A_146 = tpu.memref_squeeze %dma_wait3A_145 : memref<1x128xi32, #tpu.memory_space<vmem>> -> memref<128xi32, #tpu.memory_space<vmem>>
      %dma_wait3A_147 = arith.constant 0 : i32
      %dma_wait3A_148 = arith.constant 0 : i32
      %dma_wait3A_149 = tpu.memref_slice %arg2[%dma_wait3A_147, %dma_wait3A_148] : memref<10240x128xf32, #tpu.memory_space<hbm>> -> memref<10240x128xf32, #tpu.memory_space<hbm>>
      tpu.wait_indirect_dma semaphore(%arg12 : memref<!tpu.dma_semaphore, #tpu.memory_space<semaphore_mem>>) src(%dma_wait3A_149 : memref<10240x128xf32, #tpu.memory_space<hbm>>) dst(%arg9 : memref<128x128xf32, #tpu.memory_space<vmem>>)
      %dma_wait3A_150 = arith.constant 0 : i32
      %dma_wait3A_151 = arith.constant 0 : i32
      %dma_wait3A_152 = arith.constant 0 : i32
      %dma_wait3A_153 = tpu.memref_slice %arg8[%dma_wait3A_151, %dma_wait3A_152] : memref<4x128xi32, #tpu.memory_space<vmem>> -> memref<1x128xi32, #tpu.memory_space<vmem>>
      %dma_wait3A_154 = tpu.memref_squeeze %dma_wait3A_153 : memref<1x128xi32, #tpu.memory_space<vmem>> -> memref<128xi32, #tpu.memory_space<vmem>>
      %dma_wait3A_155 = arith.constant 0 : i32
      %dma_wait3A_156 = arith.constant 0 : i32
      %dma_wait3A_157 = tpu.memref_slice %arg3[%add3A, %dma_wait3A_155, %dma_wait3A_156] : memref<32x80x128xi32, #tpu.memory_space<hbm>> -> memref<1x80x128xi32, #tpu.memory_space<hbm>>
      %dma_wait3A_158 = tpu.memref_squeeze %dma_wait3A_157 : memref<1x80x128xi32, #tpu.memory_space<hbm>> -> memref<80x128xi32, #tpu.memory_space<hbm>>
      %dma_wait3A_159 = arith.constant 0 : i32
      %dma_wait3A_160 = tpu.memref_slice %dma_wait3A_158[%dma_wait3A_150, %dma_wait3A_159] : memref<80x128xi32, #tpu.memory_space<hbm>> -> memref<1x128xi32, #tpu.memory_space<hbm>>
      %dma_wait3A_161 = tpu.memref_squeeze %dma_wait3A_160 : memref<1x128xi32, #tpu.memory_space<hbm>> -> memref<128xi32, #tpu.memory_space<hbm>>
      %dma_wait3A_162 = arith.constant 0 : i32
      %dma_wait3A_163 = tpu.memref_slice %arg8[%dma_wait3A_151, %dma_wait3A_162] : memref<4x128xi32, #tpu.memory_space<vmem>> -> memref<1x128xi32, #tpu.memory_space<vmem>>
      %dma_wait3A_164 = tpu.memref_squeeze %dma_wait3A_163 : memref<1x128xi32, #tpu.memory_space<vmem>> -> memref<128xi32, #tpu.memory_space<vmem>>
      %dma_wait3A_165 = arith.constant 0 : i32
      %dma_wait3A_166 = arith.constant 0 : i32
      %dma_wait3A_167 = tpu.memref_slice %arg3[%add3A, %dma_wait3A_165, %dma_wait3A_166] : memref<32x80x128xi32, #tpu.memory_space<hbm>> -> memref<1x80x128xi32, #tpu.memory_space<hbm>>
      %dma_wait3A_168 = tpu.memref_squeeze %dma_wait3A_167 : memref<1x80x128xi32, #tpu.memory_space<hbm>> -> memref<80x128xi32, #tpu.memory_space<hbm>>
      %dma_wait3A_169 = arith.constant 0 : i32
      %dma_wait3A_170 = tpu.memref_slice %dma_wait3A_168[%dma_wait3A_150, %dma_wait3A_169] : memref<80x128xi32, #tpu.memory_space<hbm>> -> memref<1x128xi32, #tpu.memory_space<hbm>>
      %dma_wait3A_171 = tpu.memref_squeeze %dma_wait3A_170 : memref<1x128xi32, #tpu.memory_space<hbm>> -> memref<128xi32, #tpu.memory_space<hbm>>
      tpu.wait_dma2 semaphore(%arg14 : memref<!tpu.dma_semaphore, #tpu.memory_space<semaphore_mem>>) src(%dma_wait3A_171 : memref<128xi32, #tpu.memory_space<hbm>>) dst(%dma_wait3A_164 : memref<128xi32, #tpu.memory_space<vmem>>)
      %jit3A_172 = arith.constant 4 : i32
      %eq3A_173 = arith.constant 0 : i32
      %eq3A_174 = arith.cmpi eq, %jit3A_172, %eq3A_173 : i32
      %jit3A_175 = arith.constant 1 : i32
      %select_n3A_176 = arith.select %eq3A_174, %jit3A_175, %jit3A_172 : i32
      %rem3A_177 = arith.remsi %add3A_134, %select_n3A_176 : i32
      %ne3A_178 = arith.constant 0 : i32
      %ne3A_179 = arith.cmpi ne, %rem3A_177, %ne3A_178 : i32
      %lt3A_180 = arith.constant 0 : i32
      %lt3A_181 = arith.cmpi slt, %rem3A_177, %lt3A_180 : i32
      %lt3A_182 = arith.constant 0 : i32
      %lt3A_183 = arith.cmpi slt, %select_n3A_176, %lt3A_182 : i32
      %ne3A_184 = arith.xori %lt3A_181, %lt3A_183 : i1
      %and3A_185 = arith.andi %ne3A_184, %ne3A_179 : i1
      %add3A_186 = arith.addi %rem3A_177, %select_n3A_176 : i32
      %select_n3A_187 = arith.select %and3A_185, %add3A_186, %rem3A_177 : i32
      %dma_start3A_188 = arith.constant 0 : i32
      %dma_start3A_189 = tpu.memref_slice %arg8[%select_n3A_187, %dma_start3A_188] : memref<4x128xi32, #tpu.memory_space<vmem>> -> memref<1x128xi32, #tpu.memory_space<vmem>>
      %dma_start3A_190 = tpu.memref_squeeze %dma_start3A_189 : memref<1x128xi32, #tpu.memory_space<vmem>> -> memref<128xi32, #tpu.memory_space<vmem>>
      %dma_start3A_191 = arith.constant 0 : i32
      %dma_start3A_192 = arith.constant 0 : i32
      %dma_start3A_193 = tpu.memref_slice %arg2[%dma_start3A_191, %dma_start3A_192] : memref<10240x128xf32, #tpu.memory_space<hbm>> -> memref<10240x128xf32, #tpu.memory_space<hbm>>
      tpu.enqueue_indirect_dma source(%dma_start3A_193 : memref<10240x128xf32, #tpu.memory_space<hbm>>) target(%arg10 : memref<128x128xf32, #tpu.memory_space<vmem>>) offsets(%dma_start3A_190 : memref<128xi32, #tpu.memory_space<vmem>>) semaphore(%arg13 : memref<!tpu.dma_semaphore, #tpu.memory_space<semaphore_mem>>)
      %add3A_194 = arith.constant 4 : i32
      %add3A_195 = arith.addi %mul3A_132, %add3A_194 : i32
      %lt3A_196 = arith.constant 80 : i32
      %lt3A_197 = arith.cmpi slt, %add3A_195, %lt3A_196 : i32
      %convert_element_type3A = arith.extui %lt3A_197 : i1 to i32
      %cond3A = arith.constant 0 : i32
      %cond3A_198 = arith.cmpi ne, %convert_element_type3A, %cond3A : i32
      scf.if %cond3A_198 {
        %add3A_235 = arith.constant 4 : i32
        %add3A_236 = arith.addi %mul3A_132, %add3A_235 : i32
        %jit3A_237 = arith.constant 4 : i32
        %eq3A_238 = arith.constant 0 : i32
        %eq3A_239 = arith.cmpi eq, %jit3A_237, %eq3A_238 : i32
        %jit3A_240 = arith.constant 1 : i32
        %select_n3A_241 = arith.select %eq3A_239, %jit3A_240, %jit3A_237 : i32
        %rem3A_242 = arith.remsi %add3A_236, %select_n3A_241 : i32
        %ne3A_243 = arith.constant 0 : i32
        %ne3A_244 = arith.cmpi ne, %rem3A_242, %ne3A_243 : i32
        %lt3A_245 = arith.constant 0 : i32
        %lt3A_246 = arith.cmpi slt, %rem3A_242, %lt3A_245 : i32
        %lt3A_247 = arith.constant 0 : i32
        %lt3A_248 = arith.cmpi slt, %select_n3A_241, %lt3A_247 : i32
        %ne3A_249 = arith.xori %lt3A_246, %lt3A_248 : i1
        %and3A_250 = arith.andi %ne3A_249, %ne3A_244 : i1
        %add3A_251 = arith.addi %rem3A_242, %select_n3A_241 : i32
        %select_n3A_252 = arith.select %and3A_250, %add3A_251, %rem3A_242 : i32
        %dma_start3A_253 = arith.constant 0 : i32
        %dma_start3A_254 = tpu.memref_slice %arg8[%select_n3A_252, %dma_start3A_253] : memref<4x128xi32, #tpu.memory_space<vmem>> -> memref<1x128xi32, #tpu.memory_space<vmem>>
        %dma_start3A_255 = tpu.memref_squeeze %dma_start3A_254 : memref<1x128xi32, #tpu.memory_space<vmem>> -> memref<128xi32, #tpu.memory_space<vmem>>
        %dma_start3A_256 = arith.constant 0 : i32
        %dma_start3A_257 = arith.constant 0 : i32
        %dma_start3A_258 = tpu.memref_slice %arg3[%add3A, %dma_start3A_256, %dma_start3A_257] : memref<32x80x128xi32, #tpu.memory_space<hbm>> -> memref<1x80x128xi32, #tpu.memory_space<hbm>>
        %dma_start3A_259 = tpu.memref_squeeze %dma_start3A_258 : memref<1x80x128xi32, #tpu.memory_space<hbm>> -> memref<80x128xi32, #tpu.memory_space<hbm>>
        %dma_start3A_260 = arith.constant 0 : i32
        %dma_start3A_261 = tpu.memref_slice %dma_start3A_259[%add3A_236, %dma_start3A_260] : memref<80x128xi32, #tpu.memory_space<hbm>> -> memref<1x128xi32, #tpu.memory_space<hbm>>
        %dma_start3A_262 = tpu.memref_squeeze %dma_start3A_261 : memref<1x128xi32, #tpu.memory_space<hbm>> -> memref<128xi32, #tpu.memory_space<hbm>>
        %dma_start3A_263 = arith.constant 0 : i32
        %dma_start3A_264 = tpu.memref_slice %arg8[%select_n3A_252, %dma_start3A_263] : memref<4x128xi32, #tpu.memory_space<vmem>> -> memref<1x128xi32, #tpu.memory_space<vmem>>
        %dma_start3A_265 = tpu.memref_squeeze %dma_start3A_264 : memref<1x128xi32, #tpu.memory_space<vmem>> -> memref<128xi32, #tpu.memory_space<vmem>>
        %dma_start3A_266 = arith.constant 0 : i32
        %dma_start3A_267 = arith.constant 0 : i32
        %dma_start3A_268 = tpu.memref_slice %arg3[%add3A, %dma_start3A_266, %dma_start3A_267] : memref<32x80x128xi32, #tpu.memory_space<hbm>> -> memref<1x80x128xi32, #tpu.memory_space<hbm>>
        %dma_start3A_269 = tpu.memref_squeeze %dma_start3A_268 : memref<1x80x128xi32, #tpu.memory_space<hbm>> -> memref<80x128xi32, #tpu.memory_space<hbm>>
        %dma_start3A_270 = arith.constant 0 : i32
        %dma_start3A_271 = tpu.memref_slice %dma_start3A_269[%add3A_236, %dma_start3A_270] : memref<80x128xi32, #tpu.memory_space<hbm>> -> memref<1x128xi32, #tpu.memory_space<hbm>>
        %dma_start3A_272 = tpu.memref_squeeze %dma_start3A_271 : memref<1x128xi32, #tpu.memory_space<hbm>> -> memref<128xi32, #tpu.memory_space<hbm>>
        tpu.enqueue_dma source(%dma_start3A_272 : memref<128xi32, #tpu.memory_space<hbm>>) target(%dma_start3A_265 : memref<128xi32, #tpu.memory_space<vmem>>) target_semaphore(%arg14 : memref<!tpu.dma_semaphore, #tpu.memory_space<semaphore_mem>>)
      } else {
      }
      "tpu.region"() ({
        %run_scoped3A = tpu.sem_alloc : memref<!tpu.dma_semaphore, #tpu.memory_space<semaphore_mem>>
        %dma_start3A_235 = arith.constant 0 : i32
        %dma_start3A_236 = tpu.memref_slice %arg7[%mul3A_132, %dma_start3A_235] : memref<80x128xi32, #tpu.memory_space<vmem>> -> memref<1x128xi32, #tpu.memory_space<vmem>>
        %dma_start3A_237 = tpu.memref_squeeze %dma_start3A_236 : memref<1x128xi32, #tpu.memory_space<vmem>> -> memref<128xi32, #tpu.memory_space<vmem>>
        %dma_start3A_238 = arith.constant 0 : i32
        %dma_start3A_239 = arith.constant 0 : i32
        %dma_start3A_240 = tpu.memref_slice %arg11[%dma_start3A_238, %dma_start3A_239] : memref<10240x128xf32, #tpu.memory_space<vmem_shared>> -> memref<10240x128xf32, #tpu.memory_space<vmem_shared>>
        tpu.enqueue_indirect_dma source(%arg9 : memref<128x128xf32, #tpu.memory_space<vmem>>) target(%dma_start3A_240 : memref<10240x128xf32, #tpu.memory_space<vmem_shared>>) offsets(%dma_start3A_237 : memref<128xi32, #tpu.memory_space<vmem>>) semaphore(%run_scoped3A : memref<!tpu.dma_semaphore, #tpu.memory_space<semaphore_mem>>) {add = true}
        %dma_wait3A_241 = arith.constant 0 : i32
        %dma_wait3A_242 = tpu.memref_slice %arg7[%mul3A_132, %dma_wait3A_241] : memref<80x128xi32, #tpu.memory_space<vmem>> -> memref<1x128xi32, #tpu.memory_space<vmem>>
        %dma_wait3A_243 = tpu.memref_squeeze %dma_wait3A_242 : memref<1x128xi32, #tpu.memory_space<vmem>> -> memref<128xi32, #tpu.memory_space<vmem>>
        %dma_wait3A_244 = arith.constant 0 : i32
        %dma_wait3A_245 = arith.constant 0 : i32
        %dma_wait3A_246 = tpu.memref_slice %arg11[%dma_wait3A_244, %dma_wait3A_245] : memref<10240x128xf32, #tpu.memory_space<vmem_shared>> -> memref<10240x128xf32, #tpu.memory_space<vmem_shared>>
        tpu.wait_indirect_dma semaphore(%run_scoped3A : memref<!tpu.dma_semaphore, #tpu.memory_space<semaphore_mem>>) src(%arg9 : memref<128x128xf32, #tpu.memory_space<vmem>>) dst(%dma_wait3A_246 : memref<10240x128xf32, #tpu.memory_space<vmem_shared>>)
        tpu.yield
      }) : () -> ()
      %jit3A_199 = arith.constant 4 : i32
      %eq3A_200 = arith.constant 0 : i32
      %eq3A_201 = arith.cmpi eq, %jit3A_199, %eq3A_200 : i32
      %jit3A_202 = arith.constant 1 : i32
      %select_n3A_203 = arith.select %eq3A_201, %jit3A_202, %jit3A_199 : i32
      %rem3A_204 = arith.remsi %add3A_134, %select_n3A_203 : i32
      %ne3A_205 = arith.constant 0 : i32
      %ne3A_206 = arith.cmpi ne, %rem3A_204, %ne3A_205 : i32
      %lt3A_207 = arith.constant 0 : i32
      %lt3A_208 = arith.cmpi slt, %rem3A_204, %lt3A_207 : i32
      %lt3A_209 = arith.constant 0 : i32
      %lt3A_210 = arith.cmpi slt, %select_n3A_203, %lt3A_209 : i32
      %ne3A_211 = arith.xori %lt3A_208, %lt3A_210 : i1
      %and3A_212 = arith.andi %ne3A_211, %ne3A_206 : i1
      %add3A_213 = arith.addi %rem3A_204, %select_n3A_203 : i32
      %select_n3A_214 = arith.select %and3A_212, %add3A_213, %rem3A_204 : i32
      %dma_wait3A_215 = arith.constant 0 : i32
      %dma_wait3A_216 = tpu.memref_slice %arg8[%select_n3A_214, %dma_wait3A_215] : memref<4x128xi32, #tpu.memory_space<vmem>> -> memref<1x128xi32, #tpu.memory_space<vmem>>
      %dma_wait3A_217 = tpu.memref_squeeze %dma_wait3A_216 : memref<1x128xi32, #tpu.memory_space<vmem>> -> memref<128xi32, #tpu.memory_space<vmem>>
      %dma_wait3A_218 = arith.constant 0 : i32
      %dma_wait3A_219 = arith.constant 0 : i32
      %dma_wait3A_220 = tpu.memref_slice %arg2[%dma_wait3A_218, %dma_wait3A_219] : memref<10240x128xf32, #tpu.memory_space<hbm>> -> memref<10240x128xf32, #tpu.memory_space<hbm>>
      tpu.wait_indirect_dma semaphore(%arg13 : memref<!tpu.dma_semaphore, #tpu.memory_space<semaphore_mem>>) src(%dma_wait3A_220 : memref<10240x128xf32, #tpu.memory_space<hbm>>) dst(%arg10 : memref<128x128xf32, #tpu.memory_space<vmem>>)
      %add3A_221 = arith.constant 2 : i32
      %add3A_222 = arith.addi %mul3A_132, %add3A_221 : i32
      %lt3A_223 = arith.constant 80 : i32
      %lt3A_224 = arith.cmpi slt, %add3A_222, %lt3A_223 : i32
      %convert_element_type3A_225 = arith.extui %lt3A_224 : i1 to i32
      %cond3A_226 = arith.constant 0 : i32
      %cond3A_227 = arith.cmpi ne, %convert_element_type3A_225, %cond3A_226 : i32
      scf.if %cond3A_227 {
        %dma_wait3A_235 = arith.constant 0 : i32
        %dma_wait3A_236 = arith.constant 0 : i32
        %dma_wait3A_237 = arith.constant 0 : i32
        %dma_wait3A_238 = tpu.memref_slice %arg8[%dma_wait3A_236, %dma_wait3A_237] : memref<4x128xi32, #tpu.memory_space<vmem>> -> memref<1x128xi32, #tpu.memory_space<vmem>>
        %dma_wait3A_239 = tpu.memref_squeeze %dma_wait3A_238 : memref<1x128xi32, #tpu.memory_space<vmem>> -> memref<128xi32, #tpu.memory_space<vmem>>
        %dma_wait3A_240 = arith.constant 0 : i32
        %dma_wait3A_241 = arith.constant 0 : i32
        %dma_wait3A_242 = tpu.memref_slice %arg3[%add3A, %dma_wait3A_240, %dma_wait3A_241] : memref<32x80x128xi32, #tpu.memory_space<hbm>> -> memref<1x80x128xi32, #tpu.memory_space<hbm>>
        %dma_wait3A_243 = tpu.memref_squeeze %dma_wait3A_242 : memref<1x80x128xi32, #tpu.memory_space<hbm>> -> memref<80x128xi32, #tpu.memory_space<hbm>>
        %dma_wait3A_244 = arith.constant 0 : i32
        %dma_wait3A_245 = tpu.memref_slice %dma_wait3A_243[%dma_wait3A_235, %dma_wait3A_244] : memref<80x128xi32, #tpu.memory_space<hbm>> -> memref<1x128xi32, #tpu.memory_space<hbm>>
        %dma_wait3A_246 = tpu.memref_squeeze %dma_wait3A_245 : memref<1x128xi32, #tpu.memory_space<hbm>> -> memref<128xi32, #tpu.memory_space<hbm>>
        %dma_wait3A_247 = arith.constant 0 : i32
        %dma_wait3A_248 = tpu.memref_slice %arg8[%dma_wait3A_236, %dma_wait3A_247] : memref<4x128xi32, #tpu.memory_space<vmem>> -> memref<1x128xi32, #tpu.memory_space<vmem>>
        %dma_wait3A_249 = tpu.memref_squeeze %dma_wait3A_248 : memref<1x128xi32, #tpu.memory_space<vmem>> -> memref<128xi32, #tpu.memory_space<vmem>>
        %dma_wait3A_250 = arith.constant 0 : i32
        %dma_wait3A_251 = arith.constant 0 : i32
        %dma_wait3A_252 = tpu.memref_slice %arg3[%add3A, %dma_wait3A_250, %dma_wait3A_251] : memref<32x80x128xi32, #tpu.memory_space<hbm>> -> memref<1x80x128xi32, #tpu.memory_space<hbm>>
        %dma_wait3A_253 = tpu.memref_squeeze %dma_wait3A_252 : memref<1x80x128xi32, #tpu.memory_space<hbm>> -> memref<80x128xi32, #tpu.memory_space<hbm>>
        %dma_wait3A_254 = arith.constant 0 : i32
        %dma_wait3A_255 = tpu.memref_slice %dma_wait3A_253[%dma_wait3A_235, %dma_wait3A_254] : memref<80x128xi32, #tpu.memory_space<hbm>> -> memref<1x128xi32, #tpu.memory_space<hbm>>
        %dma_wait3A_256 = tpu.memref_squeeze %dma_wait3A_255 : memref<1x128xi32, #tpu.memory_space<hbm>> -> memref<128xi32, #tpu.memory_space<hbm>>
        tpu.wait_dma2 semaphore(%arg14 : memref<!tpu.dma_semaphore, #tpu.memory_space<semaphore_mem>>) src(%dma_wait3A_256 : memref<128xi32, #tpu.memory_space<hbm>>) dst(%dma_wait3A_249 : memref<128xi32, #tpu.memory_space<vmem>>)
        %add3A_257 = arith.constant 2 : i32
        %add3A_258 = arith.addi %mul3A_132, %add3A_257 : i32
        %jit3A_259 = arith.constant 4 : i32
        %eq3A_260 = arith.constant 0 : i32
        %eq3A_261 = arith.cmpi eq, %jit3A_259, %eq3A_260 : i32
        %jit3A_262 = arith.constant 1 : i32
        %select_n3A_263 = arith.select %eq3A_261, %jit3A_262, %jit3A_259 : i32
        %rem3A_264 = arith.remsi %add3A_258, %select_n3A_263 : i32
        %ne3A_265 = arith.constant 0 : i32
        %ne3A_266 = arith.cmpi ne, %rem3A_264, %ne3A_265 : i32
        %lt3A_267 = arith.constant 0 : i32
        %lt3A_268 = arith.cmpi slt, %rem3A_264, %lt3A_267 : i32
        %lt3A_269 = arith.constant 0 : i32
        %lt3A_270 = arith.cmpi slt, %select_n3A_263, %lt3A_269 : i32
        %ne3A_271 = arith.xori %lt3A_268, %lt3A_270 : i1
        %and3A_272 = arith.andi %ne3A_271, %ne3A_266 : i1
        %add3A_273 = arith.addi %rem3A_264, %select_n3A_263 : i32
        %select_n3A_274 = arith.select %and3A_272, %add3A_273, %rem3A_264 : i32
        %dma_start3A_275 = arith.constant 0 : i32
        %dma_start3A_276 = tpu.memref_slice %arg8[%select_n3A_274, %dma_start3A_275] : memref<4x128xi32, #tpu.memory_space<vmem>> -> memref<1x128xi32, #tpu.memory_space<vmem>>
        %dma_start3A_277 = tpu.memref_squeeze %dma_start3A_276 : memref<1x128xi32, #tpu.memory_space<vmem>> -> memref<128xi32, #tpu.memory_space<vmem>>
        %dma_start3A_278 = arith.constant 0 : i32
        %dma_start3A_279 = arith.constant 0 : i32
        %dma_start3A_280 = tpu.memref_slice %arg2[%dma_start3A_278, %dma_start3A_279] : memref<10240x128xf32, #tpu.memory_space<hbm>> -> memref<10240x128xf32, #tpu.memory_space<hbm>>
        tpu.enqueue_indirect_dma source(%dma_start3A_280 : memref<10240x128xf32, #tpu.memory_space<hbm>>) target(%arg9 : memref<128x128xf32, #tpu.memory_space<vmem>>) offsets(%dma_start3A_277 : memref<128xi32, #tpu.memory_space<vmem>>) semaphore(%arg12 : memref<!tpu.dma_semaphore, #tpu.memory_space<semaphore_mem>>)
      } else {
      }
      %add3A_228 = arith.constant 4 : i32
      %add3A_229 = arith.addi %add3A_134, %add3A_228 : i32
      %lt3A_230 = arith.constant 80 : i32
      %lt3A_231 = arith.cmpi slt, %add3A_229, %lt3A_230 : i32
      %convert_element_type3A_232 = arith.extui %lt3A_231 : i1 to i32
      %cond3A_233 = arith.constant 0 : i32
      %cond3A_234 = arith.cmpi ne, %convert_element_type3A_232, %cond3A_233 : i32
      scf.if %cond3A_234 {
        %add3A_235 = arith.constant 4 : i32
        %add3A_236 = arith.addi %add3A_134, %add3A_235 : i32
        %jit3A_237 = arith.constant 4 : i32
        %eq3A_238 = arith.constant 0 : i32
        %eq3A_239 = arith.cmpi eq, %jit3A_237, %eq3A_238 : i32
        %jit3A_240 = arith.constant 1 : i32
        %select_n3A_241 = arith.select %eq3A_239, %jit3A_240, %jit3A_237 : i32
        %rem3A_242 = arith.remsi %add3A_236, %select_n3A_241 : i32
        %ne3A_243 = arith.constant 0 : i32
        %ne3A_244 = arith.cmpi ne, %rem3A_242, %ne3A_243 : i32
        %lt3A_245 = arith.constant 0 : i32
        %lt3A_246 = arith.cmpi slt, %rem3A_242, %lt3A_245 : i32
        %lt3A_247 = arith.constant 0 : i32
        %lt3A_248 = arith.cmpi slt, %select_n3A_241, %lt3A_247 : i32
        %ne3A_249 = arith.xori %lt3A_246, %lt3A_248 : i1
        %and3A_250 = arith.andi %ne3A_249, %ne3A_244 : i1
        %add3A_251 = arith.addi %rem3A_242, %select_n3A_241 : i32
        %select_n3A_252 = arith.select %and3A_250, %add3A_251, %rem3A_242 : i32
        %dma_start3A_253 = arith.constant 0 : i32
        %dma_start3A_254 = tpu.memref_slice %arg8[%select_n3A_252, %dma_start3A_253] : memref<4x128xi32, #tpu.memory_space<vmem>> -> memref<1x128xi32, #tpu.memory_space<vmem>>
        %dma_start3A_255 = tpu.memref_squeeze %dma_start3A_254 : memref<1x128xi32, #tpu.memory_space<vmem>> -> memref<128xi32, #tpu.memory_space<vmem>>
        %dma_start3A_256 = arith.constant 0 : i32
        %dma_start3A_257 = arith.constant 0 : i32
        %dma_start3A_258 = tpu.memref_slice %arg3[%add3A, %dma_start3A_256, %dma_start3A_257] : memref<32x80x128xi32, #tpu.memory_space<hbm>> -> memref<1x80x128xi32, #tpu.memory_space<hbm>>
        %dma_start3A_259 = tpu.memref_squeeze %dma_start3A_258 : memref<1x80x128xi32, #tpu.memory_space<hbm>> -> memref<80x128xi32, #tpu.memory_space<hbm>>
        %dma_start3A_260 = arith.constant 0 : i32
        %dma_start3A_261 = tpu.memref_slice %dma_start3A_259[%add3A_236, %dma_start3A_260] : memref<80x128xi32, #tpu.memory_space<hbm>> -> memref<1x128xi32, #tpu.memory_space<hbm>>
        %dma_start3A_262 = tpu.memref_squeeze %dma_start3A_261 : memref<1x128xi32, #tpu.memory_space<hbm>> -> memref<128xi32, #tpu.memory_space<hbm>>
        %dma_start3A_263 = arith.constant 0 : i32
        %dma_start3A_264 = tpu.memref_slice %arg8[%select_n3A_252, %dma_start3A_263] : memref<4x128xi32, #tpu.memory_space<vmem>> -> memref<1x128xi32, #tpu.memory_space<vmem>>
        %dma_start3A_265 = tpu.memref_squeeze %dma_start3A_264 : memref<1x128xi32, #tpu.memory_space<vmem>> -> memref<128xi32, #tpu.memory_space<vmem>>
        %dma_start3A_266 = arith.constant 0 : i32
        %dma_start3A_267 = arith.constant 0 : i32
        %dma_start3A_268 = tpu.memref_slice %arg3[%add3A, %dma_start3A_266, %dma_start3A_267] : memref<32x80x128xi32, #tpu.memory_space<hbm>> -> memref<1x80x128xi32, #tpu.memory_space<hbm>>
        %dma_start3A_269 = tpu.memref_squeeze %dma_start3A_268 : memref<1x80x128xi32, #tpu.memory_space<hbm>> -> memref<80x128xi32, #tpu.memory_space<hbm>>
        %dma_start3A_270 = arith.constant 0 : i32
        %dma_start3A_271 = tpu.memref_slice %dma_start3A_269[%add3A_236, %dma_start3A_270] : memref<80x128xi32, #tpu.memory_space<hbm>> -> memref<1x128xi32, #tpu.memory_space<hbm>>
        %dma_start3A_272 = tpu.memref_squeeze %dma_start3A_271 : memref<1x128xi32, #tpu.memory_space<hbm>> -> memref<128xi32, #tpu.memory_space<hbm>>
        tpu.enqueue_dma source(%dma_start3A_272 : memref<128xi32, #tpu.memory_space<hbm>>) target(%dma_start3A_265 : memref<128xi32, #tpu.memory_space<vmem>>) target_semaphore(%arg14 : memref<!tpu.dma_semaphore, #tpu.memory_space<semaphore_mem>>)
      } else {
      }
      "tpu.region"() ({
        %run_scoped3A = tpu.sem_alloc : memref<!tpu.dma_semaphore, #tpu.memory_space<semaphore_mem>>
        %dma_start3A_235 = arith.constant 0 : i32
        %dma_start3A_236 = tpu.memref_slice %arg7[%add3A_134, %dma_start3A_235] : memref<80x128xi32, #tpu.memory_space<vmem>> -> memref<1x128xi32, #tpu.memory_space<vmem>>
        %dma_start3A_237 = tpu.memref_squeeze %dma_start3A_236 : memref<1x128xi32, #tpu.memory_space<vmem>> -> memref<128xi32, #tpu.memory_space<vmem>>
        %dma_start3A_238 = arith.constant 0 : i32
        %dma_start3A_239 = arith.constant 0 : i32
        %dma_start3A_240 = tpu.memref_slice %arg11[%dma_start3A_238, %dma_start3A_239] : memref<10240x128xf32, #tpu.memory_space<vmem_shared>> -> memref<10240x128xf32, #tpu.memory_space<vmem_shared>>
        tpu.enqueue_indirect_dma source(%arg10 : memref<128x128xf32, #tpu.memory_space<vmem>>) target(%dma_start3A_240 : memref<10240x128xf32, #tpu.memory_space<vmem_shared>>) offsets(%dma_start3A_237 : memref<128xi32, #tpu.memory_space<vmem>>) semaphore(%run_scoped3A : memref<!tpu.dma_semaphore, #tpu.memory_space<semaphore_mem>>) {add = true}
        %dma_wait3A_241 = arith.constant 0 : i32
        %dma_wait3A_242 = tpu.memref_slice %arg7[%add3A_134, %dma_wait3A_241] : memref<80x128xi32, #tpu.memory_space<vmem>> -> memref<1x128xi32, #tpu.memory_space<vmem>>
        %dma_wait3A_243 = tpu.memref_squeeze %dma_wait3A_242 : memref<1x128xi32, #tpu.memory_space<vmem>> -> memref<128xi32, #tpu.memory_space<vmem>>
        %dma_wait3A_244 = arith.constant 0 : i32
        %dma_wait3A_245 = arith.constant 0 : i32
        %dma_wait3A_246 = tpu.memref_slice %arg11[%dma_wait3A_244, %dma_wait3A_245] : memref<10240x128xf32, #tpu.memory_space<vmem_shared>> -> memref<10240x128xf32, #tpu.memory_space<vmem_shared>>
        tpu.wait_indirect_dma semaphore(%run_scoped3A : memref<!tpu.dma_semaphore, #tpu.memory_space<semaphore_mem>>) src(%arg10 : memref<128x128xf32, #tpu.memory_space<vmem>>) dst(%dma_wait3A_246 : memref<10240x128xf32, #tpu.memory_space<vmem_shared>>)
        tpu.yield
      }) : () -> ()
    }
    %scan3A_124 = arith.constant 40 : i32
    %barrier3A_125 = arith.constant 0 : index
    tpu.barrier barrier_id(%barrier3A_125)
    %mul3A_126 = arith.constant 640 : i32
    %mul3A_127 = arith.muli %arg1, %mul3A_126 : i32
    %mul3A_128 = arith.constant 640 : i32
    %mul3A_129 = arith.muli %arg1, %mul3A_128 : i32
    "tpu.region"() ({
      %run_scoped3A = tpu.sem_alloc : memref<!tpu.dma_semaphore, #tpu.memory_space<semaphore_mem>>
      %dma_start3A_130 = arith.constant 0 : i32
      %dma_start3A_131 = arith.constant 0 : i32
      %dma_start3A_132 = tpu.memref_slice %arg6[%arg0, %dma_start3A_130, %dma_start3A_131] : memref<2x10240x128xf32, #tpu.memory_space<hbm>> -> memref<1x10240x128xf32, #tpu.memory_space<hbm>>
      %dma_start3A_133 = tpu.memref_squeeze %dma_start3A_132 : memref<1x10240x128xf32, #tpu.memory_space<hbm>> -> memref<10240x128xf32, #tpu.memory_space<hbm>>
      %dma_start3A_134 = arith.constant 0 : i32
      %dma_start3A_135 = tpu.memref_slice %dma_start3A_133[%mul3A_129, %dma_start3A_134] : memref<10240x128xf32, #tpu.memory_space<hbm>> -> memref<640x128xf32, #tpu.memory_space<hbm>>
      %dma_start3A_136 = arith.constant 0 : i32
      %dma_start3A_137 = tpu.memref_slice %arg11[%mul3A_127, %dma_start3A_136] : memref<10240x128xf32, #tpu.memory_space<vmem_shared>> -> memref<640x128xf32, #tpu.memory_space<vmem_shared>>
      tpu.enqueue_dma source(%dma_start3A_137 : memref<640x128xf32, #tpu.memory_space<vmem_shared>>) target(%dma_start3A_135 : memref<640x128xf32, #tpu.memory_space<hbm>>) target_semaphore(%run_scoped3A : memref<!tpu.dma_semaphore, #tpu.memory_space<semaphore_mem>>)
      %dma_wait3A_138 = arith.constant 0 : i32
      %dma_wait3A_139 = arith.constant 0 : i32
      %dma_wait3A_140 = tpu.memref_slice %arg6[%arg0, %dma_wait3A_138, %dma_wait3A_139] : memref<2x10240x128xf32, #tpu.memory_space<hbm>> -> memref<1x10240x128xf32, #tpu.memory_space<hbm>>
      %dma_wait3A_141 = tpu.memref_squeeze %dma_wait3A_140 : memref<1x10240x128xf32, #tpu.memory_space<hbm>> -> memref<10240x128xf32, #tpu.memory_space<hbm>>
      %dma_wait3A_142 = arith.constant 0 : i32
      %dma_wait3A_143 = tpu.memref_slice %dma_wait3A_141[%mul3A_129, %dma_wait3A_142] : memref<10240x128xf32, #tpu.memory_space<hbm>> -> memref<640x128xf32, #tpu.memory_space<hbm>>
      %dma_wait3A_144 = arith.constant 0 : i32
      %dma_wait3A_145 = tpu.memref_slice %arg11[%mul3A_127, %dma_wait3A_144] : memref<10240x128xf32, #tpu.memory_space<vmem_shared>> -> memref<640x128xf32, #tpu.memory_space<vmem_shared>>
      tpu.wait_dma2 semaphore(%run_scoped3A : memref<!tpu.dma_semaphore, #tpu.memory_space<semaphore_mem>>) src(%dma_wait3A_145 : memref<640x128xf32, #tpu.memory_space<vmem_shared>>) dst(%dma_wait3A_143 : memref<640x128xf32, #tpu.memory_space<hbm>>)
      tpu.yield
    }) : () -> ()
    return
  }
}

module attributes {stable_mosaic.version = 14 : i64} {
  func.func @_tc1_body(%arg0: i32, %arg1: memref<256x128xf32, #tpu.memory_space<vmem>>, %arg2: memref<128x128xf32, #tpu.memory_space<vmem>>, %arg3: memref<256x128xf32, #tpu.memory_space<vmem>>, %arg4: memref<256x128xf32, #tpu.memory_space<vmem>>, %arg5: memref<256x128xf32, #tpu.memory_space<vmem>>, %arg6: memref<256x16xf32, #tpu.memory_space<vmem>>) attributes {dimension_semantics = [#tpu.dimension_semantics<arbitrary>], iteration_bounds = array<i64: 40>, scalar_prefetch = 0 : i64, scratch_operands = 0 : i64, tpu.core_type = #tpu.core_type<tc>, window_params = [{transform_indices = @transform_0, window_bounds = array<i64: 256, 128>}, {pipeline_mode = #tpu.pipeline_mode<synchronous>, transform_indices = @transform_1, window_bounds = array<i64: 128, 128>}, {transform_indices = @transform_2, window_bounds = array<i64: 256, 128>}, {transform_indices = @transform_3, window_bounds = array<i64: 256, 128>}, {transform_indices = @transform_4, window_bounds = array<i64: 256, 128>}, {transform_indices = @transform_5, window_bounds = array<i64: 256, 16>}]} {
    %get3A = arith.constant 0 : index
    %get3A_0 = arith.constant 0 : index
    %get3A_1 = vector.load %arg3[%get3A, %get3A_0] : memref<256x128xf32, #tpu.memory_space<vmem>>, vector<256x1xf32>
    %get3A_2 = arith.constant 0 : index
    %get3A_3 = arith.constant 0 : index
    %get3A_4 = vector.load %arg4[%get3A_2, %get3A_3] : memref<256x128xf32, #tpu.memory_space<vmem>>, vector<256x1xf32>
    %add3A = arith.addf %get3A_1, %get3A_4 : vector<256x1xf32>
    %add3A_5 = arith.constant 1.000000e+00 : f32
    %add3A_6 = vector.broadcast %add3A_5 : f32 to vector<256x1xf32>
    %add3A_7 = arith.addf %add3A, %add3A_6 : vector<256x1xf32>
    %rsqrt3A = math.rsqrt %add3A_7 : vector<256x1xf32>
    %get3A_8 = arith.constant 0 : index
    %get3A_9 = arith.constant 0 : index
    %get3A_10 = vector.load %arg1[%get3A_8, %get3A_9] : memref<256x128xf32, #tpu.memory_space<vmem>>, vector<256x128xf32>
    %get3A_11 = arith.constant 0 : index
    %get3A_12 = arith.constant 0 : index
    %get3A_13 = vector.load %arg2[%get3A_11, %get3A_12] : memref<128x128xf32, #tpu.memory_space<vmem>>, vector<128x128xf32>
    %dot_general3A = arith.constant dense<0.000000e+00> : vector<256x128xf32>
    %dot_general3A_14 = tpu.matmul %get3A_10, %get3A_13, %dot_general3A {dimension_numbers = #tpu.dot_dimension_numbers<[1], [0], [0], [1], [0, 0, 1, 1], [], []>, transpose_lhs_hint = false} : vector<256x128xf32>, vector<128x128xf32>, vector<256x128xf32> -> vector<256x128xf32>
    %mul3A = vector.broadcast %rsqrt3A : vector<256x1xf32> to vector<256x128xf32>
    %mul3A_15 = arith.mulf %mul3A, %dot_general3A_14 : vector<256x128xf32>
    %swap3A = arith.constant 0 : index
    %swap3A_16 = arith.constant 0 : index
    %swap3A_17 = vector.load %arg5[%swap3A, %swap3A_16] : memref<256x128xf32, #tpu.memory_space<vmem>>, vector<256x128xf32>
    tpu.vector_store %arg5[%swap3A, %swap3A_16], %mul3A_15 {strides = array<i32>} : memref<256x128xf32, #tpu.memory_space<vmem>>, vector<256x128xf32>,
    %broadcast_in_dim3A = vector.shape_cast %rsqrt3A : vector<256x1xf32> to vector<256x1xf32>
    %broadcast_in_dim3A_18 = vector.broadcast %broadcast_in_dim3A : vector<256x1xf32> to vector<256x16xf32>
    %swap3A_19 = arith.constant 0 : index
    %swap3A_20 = arith.constant 0 : index
    %swap3A_21 = vector.load %arg6[%swap3A_19, %swap3A_20] : memref<256x16xf32, #tpu.memory_space<vmem>>, vector<256x16xf32>
    tpu.vector_store %arg6[%swap3A_19, %swap3A_20], %broadcast_in_dim3A_18 {strides = array<i32>} : memref<256x16xf32, #tpu.memory_space<vmem>>, vector<256x16xf32>,
    return
  }
  func.func @transform_0(%arg0: i32) -> (i32, i32) {
    %c0_i32 = arith.constant 0 : i32
    %c0_i32_0 = arith.constant 0 : i32
    return %arg0, %c0_i32 : i32, i32
  }
  func.func @transform_1(%arg0: i32) -> (i32, i32) {
    %c0_i32 = arith.constant 0 : i32
    %c0_i32_0 = arith.constant 0 : i32
    %c0_i32_1 = arith.constant 0 : i32
    return %c0_i32, %c0_i32_0 : i32, i32
  }
  func.func @transform_2(%arg0: i32) -> (i32, i32) {
    %c0_i32 = arith.constant 0 : i32
    %c0_i32_0 = arith.constant 0 : i32
    return %arg0, %c0_i32 : i32, i32
  }
  func.func @transform_3(%arg0: i32) -> (i32, i32) {
    %c0_i32 = arith.constant 0 : i32
    %c0_i32_0 = arith.constant 0 : i32
    return %arg0, %c0_i32 : i32, i32
  }
  func.func @transform_4(%arg0: i32) -> (i32, i32) {
    %c0_i32 = arith.constant 0 : i32
    %c0_i32_0 = arith.constant 0 : i32
    return %arg0, %c0_i32 : i32, i32
  }
  func.func @transform_5(%arg0: i32) -> (i32, i32) {
    %c0_i32 = arith.constant 0 : i32
    %c0_i32_0 = arith.constant 0 : i32
    return %arg0, %c0_i32 : i32, i32
  }
}

module attributes {stable_mosaic.version = 14 : i64} {
  func.func @_tc2_body(%arg0: i32, %arg1: memref<256x128xf32, #tpu.memory_space<vmem>>, %arg2: memref<256x128xf32, #tpu.memory_space<vmem>>, %arg3: memref<256x128xf32, #tpu.memory_space<vmem>>, %arg4: memref<256x16xf32, #tpu.memory_space<vmem>>, %arg5: memref<1x128xf32, #tpu.memory_space<vmem>>, %arg6: memref<256x128xf32, #tpu.memory_space<vmem>>) attributes {dimension_semantics = [#tpu.dimension_semantics<arbitrary>], iteration_bounds = array<i64: 40>, scalar_prefetch = 0 : i64, scratch_operands = 0 : i64, tpu.core_type = #tpu.core_type<tc>, window_params = [{transform_indices = @transform_0, window_bounds = array<i64: 256, 128>}, {transform_indices = @transform_1, window_bounds = array<i64: 256, 128>}, {transform_indices = @transform_2, window_bounds = array<i64: 256, 128>}, {transform_indices = @transform_3, window_bounds = array<i64: 256, 16>}, {pipeline_mode = #tpu.pipeline_mode<synchronous>, transform_indices = @transform_4, window_bounds = array<i64: 1, 128>}, {transform_indices = @transform_5, window_bounds = array<i64: 256, 128>}]} {
    %get3A = arith.constant 0 : index
    %get3A_0 = arith.constant 0 : index
    %get3A_1 = vector.load %arg4[%get3A, %get3A_0] : memref<256x16xf32, #tpu.memory_space<vmem>>, vector<256x16xf32>
    %slice3A = vector.extract_strided_slice %get3A_1 {offsets = [0, 0], sizes = [256, 1], strides = [1, 1]} : vector<256x16xf32> to vector<256x1xf32>
    %get3A_2 = arith.constant 0 : index
    %get3A_3 = arith.constant 0 : index
    %get3A_4 = vector.load %arg1[%get3A_2, %get3A_3] : memref<256x128xf32, #tpu.memory_space<vmem>>, vector<256x128xf32>
    %get3A_5 = arith.constant 0 : index
    %get3A_6 = arith.constant 0 : index
    %get3A_7 = vector.load %arg2[%get3A_5, %get3A_6] : memref<256x128xf32, #tpu.memory_space<vmem>>, vector<256x128xf32>
    %add3A = arith.addf %get3A_4, %get3A_7 : vector<256x128xf32>
    %get3A_8 = arith.constant 0 : index
    %get3A_9 = arith.constant 0 : index
    %get3A_10 = vector.load %arg3[%get3A_8, %get3A_9] : memref<256x128xf32, #tpu.memory_space<vmem>>, vector<256x128xf32>
    %add3A_11 = arith.addf %add3A, %get3A_10 : vector<256x128xf32>
    %mul3A = vector.broadcast %slice3A : vector<256x1xf32> to vector<256x128xf32>
    %mul3A_12 = arith.mulf %mul3A, %add3A_11 : vector<256x128xf32>
    %get3A_13 = arith.constant 0 : index
    %get3A_14 = arith.constant 0 : index
    %get3A_15 = vector.load %arg5[%get3A_13, %get3A_14] : memref<1x128xf32, #tpu.memory_space<vmem>>, vector<1x128xf32>
    %add3A_16 = vector.broadcast %get3A_15 : vector<1x128xf32> to vector<256x128xf32>
    %add3A_17 = arith.addf %mul3A_12, %add3A_16 : vector<256x128xf32>
    %max3A = arith.constant 0.000000e+00 : f32
    %max3A_18 = vector.broadcast %max3A : f32 to vector<256x128xf32>
    %max3A_19 = arith.maximumf %add3A_17, %max3A_18 : vector<256x128xf32>
    %slice3A_20 = vector.extract_strided_slice %get3A_1 {offsets = [0, 0], sizes = [256, 1], strides = [1, 1]} : vector<256x16xf32> to vector<256x1xf32>
    %mul3A_21 = vector.broadcast %slice3A_20 : vector<256x1xf32> to vector<256x128xf32>
    %mul3A_22 = arith.mulf %mul3A_21, %max3A_19 : vector<256x128xf32>
    %swap3A = arith.constant 0 : index
    %swap3A_23 = arith.constant 0 : index
    %swap3A_24 = vector.load %arg6[%swap3A, %swap3A_23] : memref<256x128xf32, #tpu.memory_space<vmem>>, vector<256x128xf32>
    tpu.vector_store %arg6[%swap3A, %swap3A_23], %mul3A_22 {strides = array<i32>} : memref<256x128xf32, #tpu.memory_space<vmem>>, vector<256x128xf32>,
    return
  }
  func.func @transform_0(%arg0: i32) -> (i32, i32) {
    %c0_i32 = arith.constant 0 : i32
    %c0_i32_0 = arith.constant 0 : i32
    return %arg0, %c0_i32 : i32, i32
  }
  func.func @transform_1(%arg0: i32) -> (i32, i32) {
    %c0_i32 = arith.constant 0 : i32
    %c0_i32_0 = arith.constant 0 : i32
    return %arg0, %c0_i32 : i32, i32
  }
  func.func @transform_2(%arg0: i32) -> (i32, i32) {
    %c0_i32 = arith.constant 0 : i32
    %c0_i32_0 = arith.constant 0 : i32
    return %arg0, %c0_i32 : i32, i32
  }
  func.func @transform_3(%arg0: i32) -> (i32, i32) {
    %c0_i32 = arith.constant 0 : i32
    %c0_i32_0 = arith.constant 0 : i32
    return %arg0, %c0_i32 : i32, i32
  }
  func.func @transform_4(%arg0: i32) -> (i32, i32) {
    %c0_i32 = arith.constant 0 : i32
    %c0_i32_0 = arith.constant 0 : i32
    %c0_i32_1 = arith.constant 0 : i32
    return %c0_i32, %c0_i32_0 : i32, i32
  }
  func.func @transform_5(%arg0: i32) -> (i32, i32) {
    %c0_i32 = arith.constant 0 : i32
    %c0_i32_0 = arith.constant 0 : i32
    return %arg0, %c0_i32 : i32, i32
  }
}

module attributes {stable_mosaic.version = 14 : i64} {
  func.func @_tc3_body(%arg0: i32, %arg1: memref<256x128xf32, #tpu.memory_space<vmem>>, %arg2: memref<256x128xf32, #tpu.memory_space<vmem>>, %arg3: memref<256x128xf32, #tpu.memory_space<vmem>>, %arg4: memref<256x16xf32, #tpu.memory_space<vmem>>, %arg5: memref<128x16xf32, #tpu.memory_space<vmem>>, %arg6: memref<1x16xf32, #tpu.memory_space<vmem>>, %arg7: memref<256x16xf32, #tpu.memory_space<vmem>>) attributes {dimension_semantics = [#tpu.dimension_semantics<arbitrary>], iteration_bounds = array<i64: 40>, scalar_prefetch = 0 : i64, scratch_operands = 0 : i64, tpu.core_type = #tpu.core_type<tc>, window_params = [{transform_indices = @transform_0, window_bounds = array<i64: 256, 128>}, {transform_indices = @transform_1, window_bounds = array<i64: 256, 128>}, {transform_indices = @transform_2, window_bounds = array<i64: 256, 128>}, {transform_indices = @transform_3, window_bounds = array<i64: 256, 16>}, {pipeline_mode = #tpu.pipeline_mode<synchronous>, transform_indices = @transform_4, window_bounds = array<i64: 128, 16>}, {pipeline_mode = #tpu.pipeline_mode<synchronous>, transform_indices = @transform_5, window_bounds = array<i64: 1, 16>}, {transform_indices = @transform_6, window_bounds = array<i64: 256, 16>}]} {
    %get3A = arith.constant 0 : index
    %get3A_0 = arith.constant 0 : index
    %get3A_1 = vector.load %arg4[%get3A, %get3A_0] : memref<256x16xf32, #tpu.memory_space<vmem>>, vector<256x16xf32>
    %get3A_2 = arith.constant 0 : index
    %get3A_3 = arith.constant 0 : index
    %get3A_4 = vector.load %arg1[%get3A_2, %get3A_3] : memref<256x128xf32, #tpu.memory_space<vmem>>, vector<256x128xf32>
    %get3A_5 = arith.constant 0 : index
    %get3A_6 = arith.constant 0 : index
    %get3A_7 = vector.load %arg2[%get3A_5, %get3A_6] : memref<256x128xf32, #tpu.memory_space<vmem>>, vector<256x128xf32>
    %add3A = arith.addf %get3A_4, %get3A_7 : vector<256x128xf32>
    %get3A_8 = arith.constant 0 : index
    %get3A_9 = arith.constant 0 : index
    %get3A_10 = vector.load %arg3[%get3A_8, %get3A_9] : memref<256x128xf32, #tpu.memory_space<vmem>>, vector<256x128xf32>
    %add3A_11 = arith.addf %add3A, %get3A_10 : vector<256x128xf32>
    %get3A_12 = arith.constant 0 : index
    %get3A_13 = arith.constant 0 : index
    %get3A_14 = vector.load %arg5[%get3A_12, %get3A_13] : memref<128x16xf32, #tpu.memory_space<vmem>>, vector<128x16xf32>
    %dot_general3A = arith.constant dense<0.000000e+00> : vector<256x16xf32>
    %dot_general3A_15 = tpu.matmul %add3A_11, %get3A_14, %dot_general3A {dimension_numbers = #tpu.dot_dimension_numbers<[1], [0], [0], [1], [0, 0, 1, 1], [], []>, transpose_lhs_hint = false} : vector<256x128xf32>, vector<128x16xf32>, vector<256x16xf32> -> vector<256x16xf32>
    %slice3A = vector.extract_strided_slice %get3A_1 {offsets = [0, 0], sizes = [256, 1], strides = [1, 1]} : vector<256x16xf32> to vector<256x1xf32>
    %mul3A = vector.broadcast %slice3A : vector<256x1xf32> to vector<256x16xf32>
    %mul3A_16 = arith.mulf %mul3A, %dot_general3A_15 : vector<256x16xf32>
    %get3A_17 = arith.constant 0 : index
    %get3A_18 = arith.constant 0 : index
    %get3A_19 = vector.load %arg6[%get3A_17, %get3A_18] : memref<1x16xf32, #tpu.memory_space<vmem>>, vector<1x16xf32>
    %add3A_20 = vector.broadcast %get3A_19 : vector<1x16xf32> to vector<256x16xf32>
    %add3A_21 = arith.addf %mul3A_16, %add3A_20 : vector<256x16xf32>
    %slice3A_22 = vector.extract_strided_slice %add3A_21 {offsets = [0, 0], sizes = [256, 1], strides = [1, 1]} : vector<256x16xf32> to vector<256x1xf32>
    %slice3A_23 = vector.extract_strided_slice %add3A_21 {offsets = [0, 1], sizes = [256, 1], strides = [1, 1]} : vector<256x16xf32> to vector<256x1xf32>
    %max3A = arith.maximumf %slice3A_22, %slice3A_23 : vector<256x1xf32>
    %sub3A = arith.subf %slice3A_22, %max3A : vector<256x1xf32>
    %exp3A = math.exp %sub3A : vector<256x1xf32>
    %sub3A_24 = arith.subf %slice3A_23, %max3A : vector<256x1xf32>
    %exp3A_25 = math.exp %sub3A_24 : vector<256x1xf32>
    %add3A_26 = arith.addf %exp3A, %exp3A_25 : vector<256x1xf32>
    %div3A = arith.divf %exp3A, %add3A_26 : vector<256x1xf32>
    %div3A_27 = arith.divf %exp3A_25, %add3A_26 : vector<256x1xf32>
    %broadcast_in_dim3A = arith.constant 0.000000e+00 : f32
    %broadcast_in_dim3A_28 = vector.broadcast %broadcast_in_dim3A : f32 to vector<256x14xf32>
    %concatenate3A = tpu.concatenate %div3A, %div3A_27, %broadcast_in_dim3A_28 in 1 : vector<256x1xf32>, vector<256x1xf32>, vector<256x14xf32> -> vector<256x16xf32>
    %swap3A = arith.constant 0 : index
    %swap3A_29 = arith.constant 0 : index
    %swap3A_30 = vector.load %arg7[%swap3A, %swap3A_29] : memref<256x16xf32, #tpu.memory_space<vmem>>, vector<256x16xf32>
    tpu.vector_store %arg7[%swap3A, %swap3A_29], %concatenate3A {strides = array<i32>} : memref<256x16xf32, #tpu.memory_space<vmem>>, vector<256x16xf32>,
    return
  }
  func.func @transform_0(%arg0: i32) -> (i32, i32) {
    %c0_i32 = arith.constant 0 : i32
    %c0_i32_0 = arith.constant 0 : i32
    return %arg0, %c0_i32 : i32, i32
  }
  func.func @transform_1(%arg0: i32) -> (i32, i32) {
    %c0_i32 = arith.constant 0 : i32
    %c0_i32_0 = arith.constant 0 : i32
    return %arg0, %c0_i32 : i32, i32
  }
  func.func @transform_2(%arg0: i32) -> (i32, i32) {
    %c0_i32 = arith.constant 0 : i32
    %c0_i32_0 = arith.constant 0 : i32
    return %arg0, %c0_i32 : i32, i32
  }
  func.func @transform_3(%arg0: i32) -> (i32, i32) {
    %c0_i32 = arith.constant 0 : i32
    %c0_i32_0 = arith.constant 0 : i32
    return %arg0, %c0_i32 : i32, i32
  }
  func.func @transform_4(%arg0: i32) -> (i32, i32) {
    %c0_i32 = arith.constant 0 : i32
    %c0_i32_0 = arith.constant 0 : i32
    %c0_i32_1 = arith.constant 0 : i32
    return %c0_i32, %c0_i32_0 : i32, i32
  }
  func.func @transform_5(%arg0: i32) -> (i32, i32) {
    %c0_i32 = arith.constant 0 : i32
    %c0_i32_0 = arith.constant 0 : i32
    %c0_i32_1 = arith.constant 0 : i32
    return %c0_i32, %c0_i32_0 : i32, i32
  }
  func.func @transform_6(%arg0: i32) -> (i32, i32) {
    %c0_i32 = arith.constant 0 : i32
    %c0_i32_0 = arith.constant 0 : i32
    return %arg0, %c0_i32 : i32, i32
  }
}

</mosaic_0001>

<sc_bundles>
// kernel: kernel.11.cloned.1.call-start
scs
__scs_entry_jumppad:
0x0: {  	(pc) =	sbr.rel $0x88, $3  }
0x1: {  	(tag) =	ssettag $0x0;
	lr =	simm.s32 $0x1  }
0x2: {  	[smem:$0x3F9B] =	sst lr;
	_ =	strace $0xD0000000  }
0x3: {  	_ = 	snop  }
0x4: {  	_ = 	snop  }
0x5: {  	_ = 	snop  }
0x6: {  	_ = 	snop  }
0x7: {  	_ = 	snop  }
__scs_overlays_trampoline_lowered:
0x8: {  	[smem:$0x3FAA] =	sst s0  }
0x9: {  	[smem:$0x3FAB] =	sst s1  }
0xa: {  	[smem:$0x3FAC] =	sst s2  }
0xb: {  	[smem:$0x3FAD] =	sst s3  }
0xc: {  	[smem:$0x3FAE] =	sst s4  }
0xd: {  	[smem:$0x3FAF] =	sst s5  }
0xe: {  	[smem:$0x3FB0] =	sst s6  }
0xf: {  	[smem:$0x3FB1] =	sst s7  }
0x10: {  	[smem:$0x3FB2] =	sst s8  }
0x11: {  	[smem:$0x3FB3] =	sst s9;
	s0 =	simm.s32 @!p0 $0x0  }
0x12: {  	s1 =	sld [smem:$0x3F99];
	s0 =	simm.s32 @p0 $0x1  }
0x13: {  	[smem:$0x3FB4] =	sst s0;
	s0 =	simm.s32 @!p1 $0x0  }
0x14: {  	s2 =	sld [smem:$0x3F98];
	s0 =	simm.s32 @p1 $0x1  }
0x15: {  	[smem:$0x3FB5] =	sst s0;
	s0 =	simm.s32 @!p2 $0x0  }
0x16: {  	s3 =	sld [smem:$0x3FDB];
	s0 =	simm.s32 @p2 $0x1  }
0x17: {  	s4 =	simm.s32 $0x1BF5;
	[smem:$0x3FB7] =	sst s0  }
0x18: {  	s0 =	sld [smem:$0x3F9A];
	_ =	swait.ge [sflag:s4], $0x0  }
0x19: {  	s7 =	sld [smem:$0x3F9B]  }
0x1a: {  	s8 =	sadd.s32 $0xFFFFE003, lr  }
0x1b: {  	s9 =	sadd.s32 $0xFFFFFEF7, lr;
	s5 =	simm.s32 $0xFFFFFFFF;
	p2 =	slt.u32 s8, $0xFFFFF086  }
0x1c: {  	p1 =	slt.u32 s9, $0xF7A;
	s5 =	simm.s32 @!p2 $0x0  }
0x1d: {  	s5 =	simm.s32 @p1 $0x1;
	p0 =	seq.s32 s7, s2  }
0x1e: {  	s7 =	smul.u32 @!p0 $0xF7A, s2;
	p2 =	seq.s32 @!p0 s5, $0x0  }
0x1f: {  	s9 =	smul.u32 $0xF7A, s1;
	s8 =	simm.s32 @!p0 $0x1BF5;
	p2 =	por !p2, p0  }
0x20: {  	[sflag:s8] =	ssyncset.s32 @!p0 $0xFFFFF086;
	s6 =	sadd.s32 @!p0 s3, s7;
	s7 =	simm.s32 @!p0 $0x108  }
0x21: {  	s3 =	sadd.s32 s3, s9;
	s6 =	sadd.s32 @!p0 $0x88, s6;
	s7 =	simm.s32 @p2 $0x1082  }
0x22: {  	[simem:s7], [sflag:s8] =	dma.local @!p0 [hbm:s6], $0xF7A  }
0x23: {  	s9 =	sor.u32 $0xD0000000, s2;
	s6 =	simm.s32 $0x108;
	_ =	swait.ge @!p0 [sflag:s8], $0x0  }
0x24: {  	s3 =	sadd.s32 $0x88, s3;
	s6 =	simm.s32 @!p1 $0x1082;
	[sflag:s4] =	ssyncset.s32 $0xFFFFF086  }
0x25: {  	[simem:s6], [sflag:s4] =	dma.local [hbm:s3], $0xF7A  }
0x26: {  	[smem:$0x3F9B] =	sst s1;
	(tag) =	ssettag s2;
	_ =	strace s9  }
0x27: {  	s1 =	sld [smem:$0x3FAB]  }
0x28: {  	s2 =	sld [smem:$0x3FAC]  }
0x29: {  	s4 =	sld [smem:$0x3FAE]  }
0x2a: {  	p0 =	seq.s32 s5, $0x0;
	s5 =	sld [smem:$0x3FAF]  }
0x2b: {  	s6 =	sld [smem:$0x3FB0]  }
0x2c: {  	s7 =	sld [smem:$0x3FB1]  }
0x2d: {  	s3 =	simm.s32 $0x108;
	s8 =	sld [smem:$0x3FB2]  }
0x2e: {  	s3 =	simm.s32 @!p0 $0x1082;
	s9 =	sld [smem:$0x3FB3]  }
0x2f: {  	lr =	sadd.s32 s0, s3;
	s0 =	sld [smem:$0x3FAA]  }
0x30: {  	s3 =	sld [smem:$0x3FAD]  }
0x31: {  	[smem:$0x3FB6] =	sst s10  }
0x32: {  	s10 =	sld [smem:$0x3FB4];
	_ =	sdelay $0x3  }
0x33: {  	p0 =	seq.s32 s10, $0x1;
	s10 =	sld [smem:$0x3FB6];
	_ =	sdelay $0x3  }
0x34: {  	[smem:$0x3FB6] =	sst s10  }
0x35: {  	s10 =	sld [smem:$0x3FB5];
	_ =	sdelay $0x3  }
0x36: {  	p1 =	seq.s32 s10, $0x1;
	s10 =	sld [smem:$0x3FB6];
	_ =	sdelay $0x3  }
0x37: {  	[smem:$0x3FB6] =	sst s10  }
0x38: {  	s10 =	sld [smem:$0x3FB7]  }
0x39: {  	_ = 	snop;
	(pc) =	sbr.ind lr, $3  }
0x3a: {  	_ = 	snop  }
0x3b: {  	_ = 	snop  }
0x3c: {  	p2 =	seq.s32 s10, $0x1;
	s10 =	sld [smem:$0x3FB6]  }
0x3d: {  	_ =	shalt  }
0x3e: {  	_ =	shalt  }
0x3f: {  	_ =	shalt  }
0x40: {  	_ =	shalt  }
0x41: {  	_ =	shalt  }
0x42: {  	_ =	shalt  }
0x43: {  	_ =	shalt  }
0x44: {  	_ =	shalt  }
0x45: {  	_ =	shalt  }
0x46: {  	_ =	shalt  }
0x47: {  	_ =	shalt  }
0x48: {  	_ =	shalt  }
0x49: {  	_ =	shalt  }
0x4a: {  	_ =	shalt  }
0x4b: {  	_ =	shalt  }
0x4c: {  	_ =	shalt  }
0x4d: {  	_ =	shalt  }
0x4e: {  	_ =	shalt  }
0x4f: {  	_ =	shalt  }
0x50: {  	_ =	shalt  }
0x51: {  	_ =	shalt  }
0x52: {  	_ =	shalt  }
0x53: {  	_ =	shalt  }
0x54: {  	_ =	shalt  }
0x55: {  	_ =	shalt  }
0x56: {  	_ =	shalt  }
0x57: {  	_ =	shalt  }
0x58: {  	_ =	shalt  }
0x59: {  	_ =	shalt  }
0x5a: {  	_ =	shalt  }
0x5b: {  	_ =	shalt  }
0x5c: {  	_ =	shalt  }
0x5d: {  	_ =	shalt  }
0x5e: {  	_ =	shalt  }
0x5f: {  	_ =	shalt  }
0x60: {  	_ =	shalt  }
0x61: {  	_ =	shalt  }
0x62: {  	_ =	shalt  }
0x63: {  	_ =	shalt  }
0x64: {  	_ =	shalt  }
0x65: {  	_ =	shalt  }
0x66: {  	_ =	shalt  }
0x67: {  	_ =	shalt  }
0x68: {  	_ =	shalt  }
0x69: {  	_ =	shalt  }
0x6a: {  	_ =	shalt  }
0x6b: {  	_ =	shalt  }
0x6c: {  	_ =	shalt  }
0x6d: {  	_ =	shalt  }
0x6e: {  	_ =	shalt  }
0x6f: {  	_ =	shalt  }
0x70: {  	_ =	shalt  }
0x71: {  	_ =	shalt  }
0x72: {  	_ =	shalt  }
0x73: {  	_ =	shalt  }
0x74: {  	_ =	shalt  }
0x75: {  	_ =	shalt  }
0x76: {  	_ =	shalt  }
0x77: {  	_ =	shalt  }
0x78: {  	_ =	shalt  }
0x79: {  	_ =	shalt  }
0x7a: {  	_ =	shalt  }
0x7b: {  	_ =	shalt  }
0x7c: {  	_ =	shalt  }
0x7d: {  	_ =	shalt  }
0x7e: {  	_ =	shalt  }
0x7f: {  	_ =	shalt  }
0x80: {  	_ =	shalt  }
0x81: {  	_ =	shalt  }
0x82: {  	_ =	shalt  }
0x83: {  	_ =	shalt  }
0x84: {  	_ =	shalt  }
0x85: {  	_ =	shalt  }
0x86: {  	_ =	shalt  }
0x87: {  	_ =	shalt  }
.Lfunc_end0:
.L_simem_size_0:
called_computation.1_lowered:
.L_overlay_start_0:
0x88: {  	s2 =	sld [smem:$0x3FD9]  }
0x89: {  	s3 =	sld [smem:$0x3FFE];
	_ =	sdelay $0x1  }
0x8a: {  	s1 =	srdreg.scid  }
0x8b: {  	s0 =	sand.u32 $0x1, s1  }
0x8c: {  	s16 =	sshll.u32 s0, $0xA;
	s2 =	sadd.s32 s3, s2  }
0x8d: {  	s2 =	sadd.s32 s2, s16  }
0x8e: {  	[smem:$0x3FC2] =	sst s2  }
0x8f: {  	_ = 	snop  }
0x90: {  	(tm) =	ssettm $0x1  }
0x91: {  	s17 =	sld [smem:$0x3FFB];
	_ =	sdelay $0x3  }
0x92: {  	_ =	strace s17  }
0x93: {  	s2 =	sld [smem:$0x3FFC];
	_ =	sdelay $0x3  }
0x94: {  	_ =	strace s2  }
0x95: {  	s2 =	sld [smem:$0x3FFD];
	_ =	sdelay $0x3  }
0x96: {  	_ =	strace s2  }
0x97: {  	_ =	strace $0x8FFFFFFF  }
0x98: {  	s18 =	sld [smem:$0x3FDB];
	_ =	sdelay $0x1  }
0x99: {  	s19 =	simm.s32 $_scs_section_size  }
0x9a: {  	s4 =	simm.s32 $_size__tile_overlayer_lowered;
	s5 =	simm.s32 $_tile_overlayer_lowered  }
0x9b: {  	s22 =	simm.s32 $0x1BFF;
	s21 =	sshll.u32 s5, $0x1;
	s2 =	sadd.s32 s19, s18  }
0x9c: {  	s6 =	simm.s32 $0x0;
	s20 =	sshll.u32 s4, $0x1;
	s4 =	sadd.s32 s21, s2  }
0x9d: {  	[timem:s6], [sflag:s22] =	dma.local [hbm:s4], s20  }
0x9e: {  	_ =	swait.ge [sflag:s22], s20  }
0x9f: {  	s3 =	ssub.s32 $0x0, s20;
	[sflag:s22] =	ssyncset.done $0x0  }
0xa0: {  	[sflag:s22] =	ssyncadd.s32 s3;
	_ =	sdelay $0x1  }
0xa1: {  	s23 =	simm.s32 $0x1B8B  }
0xa2: {  	_ =	swait.ge [sflag:s23], $0x1  }
0xa3: {  	[sflag:s23] =	ssyncset.done $0x0  }
0xa4: {  	s25 =	simm.s32 $0x1B8E;
	s24 =	sld [smem:$0x3FFE];
	[sflag:s23] =	ssyncadd.s32 $0xFFFFFFFF  }
0xa5: {  	s26 =	simm.s32 $execute0_lowered;
	[smem:$0x3FD2] =	sst s25  }
0xa6: {  	s4 =	sshll.u32 s26, $0x1;
	_ =	strace $0x80000049;
	[dreg:$0x1] =	wrdreg $0xFFFFFFFF  }
0xa7: {  	s28 =	simm.s32 $_size_execute0_lowered;
	s2 =	sadd.s32 s2, s4;
	[dreg:$0x0] =	wrdreg $0x0  }
0xa8: {  	s4 =	sshll.u32 s28, $0x1;
	[dreg:$0x2] =	wrdreg s2  }
0xa9: {  	[dreg:$0x3] =	wrdreg s4  }
0xaa: {  	[dreg:$0x4] =	wrdreg $0xC0  }
0xab: {  	_ =	task [dreg:s6], $0x5FFFF  }
0xac: {  	[dreg:$0x1] =	wrdreg $0xFFFFFFFF  }
0xad: {  	[dreg:$0x0] =	wrdreg $0x60  }
0xae: {  	[dreg:$0x2] =	wrdreg s24  }
0xaf: {  	[dreg:$0x3] =	wrdreg $0xAA000  }
0xb0: {  	[dreg:$0x4] =	wrdreg $0x9  }
0xb1: {  	_ =	task.clear_ibuf [dreg:s6], $0x5FFFF;
	_ =	strace $0x90000049  }
0xb2: {  	s29 =	simm.s32 $0x9;
	_ =	strace $0x8000004B  }
0xb3: {  	_ =	swait.ge [sflag:s29], $0x1  }
0xb4: {  	[sflag:s29] =	ssyncadd.s32 $0xFFFFFFFF  }
0xb5: {  	_ =	strace $0x9000004B  }
0xb6: {  	_ =	sfence  }
0xb7: {  	s30 =	sld [smem:$0x0];
	_ =	sdelay $0x2  }
0xb8: {  	s31 =	sshll.u32 s1, $0xD;
	s1 =	sshrl.u32 s1, $0x2  }
0xb9: {  	s3 =	sand.u32 $0x4000, s31;
	s1 =	sadd.s32 s1, s30  }
0xba: {  	s0 =	sor.u32 s3, s0;
	s1 =	sshll.u32 s1, $0x11  }
0xbb: {  	s0 =	sor.u32 s1, s0  }
0xbc: {  	s0 =	sadd.s32 $0x8F2B, s0  }
0xbd: {  	[sflag:s0] =	ssyncadd.remote.s32 $0x1  }
0xbe: {  	_ =	sfence.sel $0xFFFF  }
0xbf: {  	[dreg:$0x0] =	wrdreg $0xFFFFFFFF;
	(pc) =	sbr.abs _section_cstart, $3  }
0xc0: {  	[dreg:$0x1] =	wrdreg $0xFFFFFFFF  }
0xc1: {  	_ =	task.clear_ibuf [dreg:s6], $0x2FFFF;
	_ =	strace $0x9FFFFFFF  }
0xc2: {  	(tm) =	ssettm $0x7FFFFFFF  }
0xc3: {  	_ =	shalt  }
tec
execute0_lowered:
.L_overlay_start_1:
0x0: {  	(tag) =	ssettag $0x1  }
0x1: {  	s0 =	srdreg.scid;
	s1 =	rddreg [dreg:$0x0]  }
0x2: {  	s10 =	stileid.u32;
	s2 =	rddreg [dreg:$0x1]  }
0x3: {  	s12 =	simm.s32 $0x2800;
	s14 =	simm.s32 $0x2880;
	s16 =	simm.s32 $0x2900  }
0x4: {  	s18 =	simm.s32 $0x2980;
	s19 =	simm.s32 $0x3;
	s20 =	simm.s32 $0x80  }
0x5: {  	s21 =	simm.s32 $0x2A00;
	s23 =	simm.s32 $0x1;
	s22 =	smul.u32 $0x2800, s10  }
0x6: {  	s25 =	simm.s32 $0x6A00;
	s0 =	sand.u32 $0x1, s0;
	s7 =	smul.u32 $0x50000, s10  }
0x7: {  	s26 =	simm.s32 $0x2;
	s3 =	sshll.u32 s0, $0x4;
	s6 =	smul.u32 $0x28000, s0  }
0x8: {  	s0 =	ssub.s32 $0x2, s0;
	s4 =	sor.u32 s10, s3;
	s3 =	simm.s32 $0x0  }
0x9: {  	s9 =	sadd.s32 s22, s1;
	s29 =	sshrl.u32 s0, $0x1;
	s30 =	sshrl.u32 s7, $0x2  }
0xa: {  	s10 =	sshll.u32 s10, $0x6;
	s5 =	smul.u32 $0x500, s4;
	[smem:$0x7FF] =	sst s3  }
0xb: {  	s4 =	sadd.s32 $0x3F400, s1;
	s0 =	ssub.s32 s0, s29;
	s11 =	sadd.s32 s30, s2  }
0xc: {  	s10 =	sor.u32 $0x1C04, s10;
	_ =	strace $0x8000004A;
	s11 =	sshrl.u32 s11, $0x3  }
0xd: {  	s8 =	sadd.s32 s5, s1;
	s1 =	sadd.s32 s6, s1;
	s6 =	sadd.s32 $0x17400, s9  }
0xe: {  	s9 =	simm.s32 $0x4;
	s31 =	sadd.s32 $0xD400, s8;
	s7 =	sadd.s32 $0x3400, s8  }
0xf: {  	s1 =	sadd.s32 $0x8F400, s1;
	s8 =	smax.u32 s0, $0x1;
	[dreg:$0x3] =	wrdreg s31  }
0x10: {  	s13 =	sadd.s32 $0x10, s7;
	s15 =	sadd.s32 $0x20, s7;
	s17 =	sadd.s32 $0x30, s7  }
0x11: {  	s28 =	sadd.s32 $0x40, s7;
	s24 =	sadd.s32 s22, s1;
	s1 =	simm.s32 $0x0  }
.LBB2_1:
0x12: {  	s0 =	rddreg [dreg:$0x3]  }
0x13: {  	[tilespmem:s3], [sflag:$0x4] =	stream.linear.gather [hbm4b:s0+s3], $0x2800, $0x38;
	[tilespmem:$0x1EA00] =	vst v63  }
0x14: {  	_ =	swait.ge [sflag:s9], $0x2800  }
0x15: {  	[sflag:s9] =	ssyncset.done $0x0  }
0x16: {  	[sflag:s9] =	ssyncadd.s32 $0xFFFFD800  }
0x17: {  	[spmem:s11], [sflag:s10] =	dma.local [hbm:s6], $0x2800  }
0x18: {  	_ =	swait.ge [sflag:s9], $0x2800  }
0x19: {  	[sflag:s9] =	ssyncset.done $0x0  }
0x1a: {  	[sflag:s9] =	ssyncadd.s32 $0xFFFFD800  }
0x1b: {  	[bflag:$0x0] =	sbarrier.arrive $0xFFFF  }
0x1c: {  	[tilespmem:s12], [sflag:$0x3] =	stream.linear.gather [hbm4b:s7+s3], $0x80, $0x38;
	[tilespmem:$0x1EA00] =	vst v63  }
0x1d: {  	_ = 	snop  }
0x1e: {  	[tilespmem:s14], [sflag:$0x3] =	stream.linear.gather [hbm4b:s13+s3], $0x80, $0x38;
	[tilespmem:$0x1EA00] =	vst v63  }
0x1f: {  	_ = 	snop  }
0x20: {  	[tilespmem:s16], [sflag:$0x3] =	stream.linear.gather [hbm4b:s15+s3], $0x80, $0x38;
	[tilespmem:$0x1EA00] =	vst v63  }
0x21: {  	_ = 	snop  }
0x22: {  	[tilespmem:s18], [sflag:$0x3] =	stream.linear.gather [hbm4b:s17+s3], $0x80, $0x38;
	[tilespmem:$0x1EA00] =	vst v63  }
0x23: {  	_ =	swait.ge [sflag:s19], $0x80  }
0x24: {  	[sflag:s19] =	ssyncset.done $0x0  }
0x25: {  	[sflag:s19] =	ssyncadd.s32 $0xFFFFFF80  }
0x26: {  	[tilespmem:s21], [sflag:$0x1] =	stream.indirect.gather [hbm4b:s4+s20], $0x80, s12, s20, $0xb8;
	[tilespmem:$0x1EA00] =	vst v63  }
0x27: {  	_ =	swait.ge [sflag:s23], $0x4000  }
0x28: {  	[sflag:s23] =	ssyncset.done $0x0  }
0x29: {  	[sflag:s23] =	ssyncadd.s32 $0xFFFFC000  }
0x2a: {  	s22 =	simm.s32 $0x80;
	_ =	swait.ge [sflag:s19], $0x80  }
0x2b: {  	s0 =	sand.u32 $0x180, s22;
	[sflag:s19] =	ssyncset.done $0x0  }
0x2c: {  	s22 =	sand.u32 $0x100, s3;
	s0 =	sor.u32 $0x2800, s0;
	[sflag:s19] =	ssyncadd.s32 $0xFFFFFF80  }
0x2d: {  	[tilespmem:s25], [sflag:$0x2] =	stream.indirect.gather [hbm4b:s4+s20], $0x80, s0, s20, $0xb8;
	[tilespmem:$0x1EA00] =	vst v63  }
0x2e: {  	s30 =	sor.u32 $0x2800, s22  }
0x2f: {  	[tilespmem:s30], [sflag:$0x3] =	stream.linear.gather [hbm4b:s28+s3], $0x80, $0x38;
	[tilespmem:$0x1EA00] =	vst v63  }
0x30: {  	_ = 	snop  }
0x31: {  	[spmem:s2] =	stream.indirect.scatter.add.f32 [tilespmem:s21], [sflag:$0x4], $0x80, s3, s20, $0xb8;
	[tilespmem:$0x1EA00] =	vst v63  }
0x32: {  	_ =	swait.ge [sflag:s9], $0x4000  }
0x33: {  	[sflag:s9] =	ssyncset.done $0x0  }
0x34: {  	[sflag:s9] =	ssyncadd.s32 $0xFFFFC000  }
0x35: {  	_ =	swait.ge [sflag:s26], $0x4000  }
0x36: {  	[sflag:s26] =	ssyncset.done $0x0  }
0x37: {  	[sflag:s26] =	ssyncadd.s32 $0xFFFFC000  }
0x38: {  	_ =	swait.ge [sflag:s19], $0x80  }
0x39: {  	s5 =	simm.s32 $0x280;
	s31 =	sxor.u32 $0x100, s22;
	[sflag:s19] =	ssyncset.done $0x0  }
0x3a: {  	s22 =	sand.u32 $0x180, s5;
	s0 =	sor.u32 $0x2800, s31;
	[sflag:s19] =	ssyncadd.s32 $0xFFFFFF80  }
0x3b: {  	[tilespmem:s21], [sflag:$0x1] =	stream.indirect.gather [hbm4b:s4+s20], $0x80, s0, s20, $0xb8;
	[tilespmem:$0x1EA00] =	vst v63  }
0x3c: {  	s30 =	sadd.s32 $0x10, s28;
	s0 =	sor.u32 $0x2800, s22  }
0x3d: {  	[tilespmem:s0], [sflag:$0x3] =	stream.linear.gather [hbm4b:s30+s3], $0x80, $0x38;
	[tilespmem:$0x1EA00] =	vst v63  }
0x3e: {  	s29 =	simm.s32 $0x0;
	s31 =	simm.s32 $0x80  }
0x3f: {  	[spmem:s2] =	stream.indirect.scatter.add.f32 [tilespmem:s25], [sflag:$0x4], $0x80, s31, s20, $0xb8;
	[tilespmem:$0x1EA00] =	vst v63  }
0x40: {  	s22 =	smov.u32 s28;
	s0 =	simm.s32 $0x100;
	_ =	swait.ge [sflag:s9], $0x4000  }
.LBB2_2:
0x41: {  	[sflag:s9] =	ssyncset.done $0x0  }
0x42: {  	s22 =	sadd.s32 $0x20, s22;
	s29 =	sadd.s32 $0x100, s29;
	s30 =	smov.u32 s0  }
0x43: {  	p0 =	sne.s32 s0, $0x2500;
	s0 =	sadd.s32 $0x100, s0;
	[sflag:s9] =	ssyncadd.s32 $0xFFFFC000  }
0x44: {  	_ =	swait.ge [sflag:s23], $0x4000  }
0x45: {  	[sflag:s23] =	ssyncset.done $0x0  }
0x46: {  	[sflag:s23] =	ssyncadd.s32 $0xFFFFC000  }
0x47: {  	s31 =	sadd.s32 $0x80, s30;
	_ =	swait.ge [sflag:s19], $0x80  }
0x48: {  	s31 =	sand.u32 $0x180, s31;
	[sflag:s19] =	ssyncset.done $0x0  }
0x49: {  	s5 =	sand.u32 $0x100, s30;
	s31 =	sor.u32 $0x2800, s31;
	[sflag:s19] =	ssyncadd.s32 $0xFFFFFF80  }
0x4a: {  	[tilespmem:s25], [sflag:$0x2] =	stream.indirect.gather [hbm4b:s4+s20], $0x80, s31, s20, $0xb8;
	[tilespmem:$0x1EA00] =	vst v63  }
0x4b: {  	s31 =	sor.u32 $0x2800, s5;
	s5 =	sxor.u32 $0x100, s5  }
0x4c: {  	[tilespmem:s31], [sflag:$0x3] =	stream.linear.gather [hbm4b:s22+s3], $0x80, $0x38;
	[tilespmem:$0x1EA00] =	vst v63  }
0x4d: {  	_ = 	snop  }
0x4e: {  	[spmem:s2] =	stream.indirect.scatter.add.f32 [tilespmem:s21], [sflag:$0x4], $0x80, s29, s20, $0xb8;
	[tilespmem:$0x1EA00] =	vst v63  }
0x4f: {  	_ =	swait.ge [sflag:s9], $0x4000  }
0x50: {  	[sflag:s9] =	ssyncset.done $0x0  }
0x51: {  	[sflag:s9] =	ssyncadd.s32 $0xFFFFC000  }
0x52: {  	_ =	swait.ge [sflag:s26], $0x4000  }
0x53: {  	[sflag:s26] =	ssyncset.done $0x0  }
0x54: {  	[sflag:s26] =	ssyncadd.s32 $0xFFFFC000  }
0x55: {  	_ =	swait.ge [sflag:s19], $0x80  }
0x56: {  	[sflag:s19] =	ssyncset.done $0x0  }
0x57: {  	s30 =	sadd.s32 $0x280, s30;
	s5 =	sor.u32 $0x2800, s5;
	[sflag:s19] =	ssyncadd.s32 $0xFFFFFF80  }
0x58: {  	[tilespmem:s21], [sflag:$0x1] =	stream.indirect.gather [hbm4b:s4+s20], $0x80, s5, s20, $0xb8;
	[tilespmem:$0x1EA00] =	vst v63  }
0x59: {  	s5 =	sand.u32 $0x180, s30;
	s30 =	sadd.s32 $0x10, s22  }
.Ltmp0:
0x5a: {  	s31 =	sadd.s32 $0x80, s29;
	s5 =	sor.u32 $0x2800, s5;
	(pc) =	sbr.rel @p0 .LBB2_2-.Ltmp0, $4  }
0x5b: {  	[tilespmem:s5], [sflag:$0x3] =	stream.linear.gather [hbm4b:s30+s3], $0x80, $0x38;
	[tilespmem:$0x1EA00] =	vst v63  }
0x5c: {  	_ = 	snop  }
0x5d: {  	[spmem:s2] =	stream.indirect.scatter.add.f32 [tilespmem:s25], [sflag:$0x4], $0x80, s31, s20, $0xb8;
	[tilespmem:$0x1EA00] =	vst v63  }
0x5e: {  	_ =	swait.ge [sflag:s9], $0x4000  }
0x5f: {  	[sflag:s9] =	ssyncset.done $0x0  }
0x60: {  	[sflag:s9] =	ssyncadd.s32 $0xFFFFC000  }
0x61: {  	_ =	swait.ge [sflag:s23], $0x4000  }
0x62: {  	[sflag:s23] =	ssyncset.done $0x0  }
0x63: {  	[sflag:s23] =	ssyncadd.s32 $0xFFFFC000  }
0x64: {  	_ =	swait.ge [sflag:s19], $0x80  }
0x65: {  	[sflag:s19] =	ssyncset.done $0x0  }
0x66: {  	[sflag:s19] =	ssyncadd.s32 $0xFFFFFF80  }
0x67: {  	[tilespmem:s25], [sflag:$0x2] =	stream.indirect.gather [hbm4b:s4+s20], $0x80, s14, s20, $0xb8;
	[tilespmem:$0x1EA00] =	vst v63  }
0x68: {  	s0 =	simm.s32 $0x2600  }
0x69: {  	[spmem:s2] =	stream.indirect.scatter.add.f32 [tilespmem:s21], [sflag:$0x4], $0x80, s0, s20, $0xb8;
	[tilespmem:$0x1EA00] =	vst v63  }
0x6a: {  	_ =	swait.ge [sflag:s9], $0x4000  }
0x6b: {  	[sflag:s9] =	ssyncset.done $0x0  }
0x6c: {  	[sflag:s9] =	ssyncadd.s32 $0xFFFFC000  }
0x6d: {  	_ =	swait.ge [sflag:s26], $0x4000  }
0x6e: {  	[sflag:s26] =	ssyncset.done $0x0  }
0x6f: {  	[sflag:s26] =	ssyncadd.s32 $0xFFFFC000  }
0x70: {  	_ =	swait.ge [sflag:s19], $0x80  }
0x71: {  	[sflag:s19] =	ssyncset.done $0x0  }
0x72: {  	[sflag:s19] =	ssyncadd.s32 $0xFFFFFF80  }
0x73: {  	[tilespmem:s21], [sflag:$0x1] =	stream.indirect.gather [hbm4b:s4+s20], $0x80, s16, s20, $0xb8;
	[tilespmem:$0x1EA00] =	vst v63  }
0x74: {  	s29 =	simm.s32 $0x2680  }
0x75: {  	[spmem:s2] =	stream.indirect.scatter.add.f32 [tilespmem:s25], [sflag:$0x4], $0x80, s29, s20, $0xb8;
	[tilespmem:$0x1EA00] =	vst v63  }
0x76: {  	_ =	swait.ge [sflag:s9], $0x4000  }
0x77: {  	[sflag:s9] =	ssyncset.done $0x0  }
0x78: {  	[sflag:s9] =	ssyncadd.s32 $0xFFFFC000  }
0x79: {  	_ =	swait.ge [sflag:s23], $0x4000  }
0x7a: {  	[sflag:s23] =	ssyncset.done $0x0  }
0x7b: {  	[sflag:s23] =	ssyncadd.s32 $0xFFFFC000  }
0x7c: {  	_ =	swait.ge [sflag:s19], $0x80  }
0x7d: {  	[sflag:s19] =	ssyncset.done $0x0  }
0x7e: {  	[sflag:s19] =	ssyncadd.s32 $0xFFFFFF80  }
0x7f: {  	[tilespmem:s25], [sflag:$0x2] =	stream.indirect.gather [hbm4b:s4+s20], $0x80, s18, s20, $0xb8;
	[tilespmem:$0x1EA00] =	vst v63  }
0x80: {  	s30 =	simm.s32 $0x2700  }
0x81: {  	[spmem:s2] =	stream.indirect.scatter.add.f32 [tilespmem:s21], [sflag:$0x4], $0x80, s30, s20, $0xb8;
	[tilespmem:$0x1EA00] =	vst v63  }
0x82: {  	_ =	swait.ge [sflag:s9], $0x4000  }
0x83: {  	[sflag:s9] =	ssyncset.done $0x0  }
0x84: {  	[sflag:s9] =	ssyncadd.s32 $0xFFFFC000  }
0x85: {  	_ =	swait.ge [sflag:s26], $0x4000  }
0x86: {  	[sflag:s26] =	ssyncset.done $0x0  }
0x87: {  	s31 =	simm.s32 $0x2780;
	[sflag:s26] =	ssyncadd.s32 $0xFFFFC000  }
0x88: {  	[spmem:s2] =	stream.indirect.scatter.add.f32 [tilespmem:s25], [sflag:$0x4], $0x80, s31, s20, $0xb8;
	[tilespmem:$0x1EA00] =	vst v63  }
0x89: {  	_ =	swait.ge [sflag:s9], $0x4000  }
0x8a: {  	s1 =	sadd.s32 $0x1, s1;
	[sflag:s9] =	ssyncset.done $0x0  }
0x8b: {  	p0 =	sne.s32 s1, s8;
	[sflag:s9] =	ssyncadd.s32 $0xFFFFC000  }
.Ltmp1:
0x8c: {  	[bflag:$0x0] =	sbarrier.arrive $0xFFFF;
	(pc) =	sbr.rel @p0 .LBB2_1-.Ltmp1, $4  }
0x8d: {  	[hbm:s24], [sflag:s10] =	dma.local [spmem:s11], $0x2800  }
0x8e: {  	_ =	swait.ge [sflag:s9], $0x2800  }
0x8f: {  	[sflag:s9] =	ssyncset.done $0x0  }
0x90: {  	[sflag:s9] =	ssyncadd.s32 $0xFFFFD800  }
0x91: {  	_ =	sfence.sel $0x180000  }
0x92: {  	[bflag:$0x0] =	sbarrier.arrive $0xFFFF  }
0x93: {  	_ =	strace $0x9000004A  }
0x94: {  	s0 =	stileid.u32;
	[bflag:$0x2] =	sbarrier.arrive $0xFFFF  }
0x95: {  	p0 =	sne.s32 s0, $0x0;
	s0 =	rddreg [dreg:$0x2]  }
0x96: {  	s0 =	sadd.s32 @!p0 $0x100000, s0  }
0x97: {  	[sflag:s0] =	ssyncadd.tile.s32 @!p0 $0x1;
	_ =	shalt  }
.Lfunc_end2:
_tile_overlayer_lowered:
.L_overlay_start_2:
0x98: {  	(tag) =	ssettag $0x2  }
0x99: {  	s0 =	rddreg [dreg:$0x0];
	s2 =	stileid.u32  }
0x9a: {  	s1 =	rddreg [dreg:$0x1];
	p0 =	sne.s32 s2, $0x0  }
0x9b: {  	s3 =	rddreg [dreg:$0x2];
	[bflag:$0x3] =	sbarrier.arrive $0xFFFF;
	s2 =	simm.s32 @!p0 $0x1C04  }
0x9c: {  	[timem:s3], [sflag:s2] =	dma.local @!p0 [hbm:s0], s1  }
0x9d: {  	s0 =	simm.s32 @!p0 $0x4  }
0x9e: {  	_ =	swait.ge @!p0 [sflag:s0], s1  }
0x9f: {  	s1 =	ssub.s32 @!p0 $0x0, s1;
	[sflag:s0] =	ssyncset.done @!p0 $0x0  }
0xa0: {  	[sflag:s0] =	ssyncadd.s32 @!p0 s1  }
0xa1: {  	[bflag:$0x3] =	sbarrier.arrive $0xFFFF  }
0xa2: {  	_ =	shalt  }

// kernel: kernel.14.cloned.1.call-start
scs
__scs_entry_jumppad:
0x0: {  	(pc) =	sbr.rel $0x88, $3  }
0x1: {  	(tag) =	ssettag $0x0;
	lr =	simm.s32 $0x1  }
0x2: {  	[smem:$0x3F9B] =	sst lr;
	_ =	strace $0xD0000000  }
0x3: {  	_ = 	snop  }
0x4: {  	_ = 	snop  }
0x5: {  	_ = 	snop  }
0x6: {  	_ = 	snop  }
0x7: {  	_ = 	snop  }
__scs_overlays_trampoline_lowered:
0x8: {  	[smem:$0x3FAA] =	sst s0  }
0x9: {  	[smem:$0x3FAB] =	sst s1  }
0xa: {  	[smem:$0x3FAC] =	sst s2  }
0xb: {  	[smem:$0x3FAD] =	sst s3  }
0xc: {  	[smem:$0x3FAE] =	sst s4  }
0xd: {  	[smem:$0x3FAF] =	sst s5  }
0xe: {  	[smem:$0x3FB0] =	sst s6  }
0xf: {  	[smem:$0x3FB1] =	sst s7  }
0x10: {  	[smem:$0x3FB2] =	sst s8  }
0x11: {  	[smem:$0x3FB3] =	sst s9;
	s0 =	simm.s32 @!p0 $0x0  }
0x12: {  	s1 =	sld [smem:$0x3F99];
	s0 =	simm.s32 @p0 $0x1  }
0x13: {  	[smem:$0x3FB4] =	sst s0;
	s0 =	simm.s32 @!p1 $0x0  }
0x14: {  	s2 =	sld [smem:$0x3F98];
	s0 =	simm.s32 @p1 $0x1  }
0x15: {  	[smem:$0x3FB5] =	sst s0;
	s0 =	simm.s32 @!p2 $0x0  }
0x16: {  	s3 =	sld [smem:$0x3FDB];
	s0 =	simm.s32 @p2 $0x1  }
0x17: {  	s4 =	simm.s32 $0x1BF5;
	[smem:$0x3FB7] =	sst s0  }
0x18: {  	s0 =	sld [smem:$0x3F9A];
	_ =	swait.ge [sflag:s4], $0x0  }
0x19: {  	s7 =	sld [smem:$0x3F9B]  }
0x1a: {  	s8 =	sadd.s32 $0xFFFFE003, lr  }
0x1b: {  	s9 =	sadd.s32 $0xFFFFFEF7, lr;
	s5 =	simm.s32 $0xFFFFFFFF;
	p2 =	slt.u32 s8, $0xFFFFF086  }
0x1c: {  	p1 =	slt.u32 s9, $0xF7A;
	s5 =	simm.s32 @!p2 $0x0  }
0x1d: {  	s5 =	simm.s32 @p1 $0x1;
	p0 =	seq.s32 s7, s2  }
0x1e: {  	s7 =	smul.u32 @!p0 $0xF7A, s2;
	p2 =	seq.s32 @!p0 s5, $0x0  }
0x1f: {  	s9 =	smul.u32 $0xF7A, s1;
	s8 =	simm.s32 @!p0 $0x1BF5;
	p2 =	por !p2, p0  }
0x20: {  	[sflag:s8] =	ssyncset.s32 @!p0 $0xFFFFF086;
	s6 =	sadd.s32 @!p0 s3, s7;
	s7 =	simm.s32 @!p0 $0x108  }
0x21: {  	s3 =	sadd.s32 s3, s9;
	s6 =	sadd.s32 @!p0 $0x88, s6;
	s7 =	simm.s32 @p2 $0x1082  }
0x22: {  	[simem:s7], [sflag:s8] =	dma.local @!p0 [hbm:s6], $0xF7A  }
0x23: {  	s9 =	sor.u32 $0xD0000000, s2;
	s6 =	simm.s32 $0x108;
	_ =	swait.ge @!p0 [sflag:s8], $0x0  }
0x24: {  	s3 =	sadd.s32 $0x88, s3;
	s6 =	simm.s32 @!p1 $0x1082;
	[sflag:s4] =	ssyncset.s32 $0xFFFFF086  }
0x25: {  	[simem:s6], [sflag:s4] =	dma.local [hbm:s3], $0xF7A  }
0x26: {  	[smem:$0x3F9B] =	sst s1;
	(tag) =	ssettag s2;
	_ =	strace s9  }
0x27: {  	s1 =	sld [smem:$0x3FAB]  }
0x28: {  	s2 =	sld [smem:$0x3FAC]  }
0x29: {  	s4 =	sld [smem:$0x3FAE]  }
0x2a: {  	p0 =	seq.s32 s5, $0x0;
	s5 =	sld [smem:$0x3FAF]  }
0x2b: {  	s6 =	sld [smem:$0x3FB0]  }
0x2c: {  	s7 =	sld [smem:$0x3FB1]  }
0x2d: {  	s3 =	simm.s32 $0x108;
	s8 =	sld [smem:$0x3FB2]  }
0x2e: {  	s3 =	simm.s32 @!p0 $0x1082;
	s9 =	sld [smem:$0x3FB3]  }
0x2f: {  	lr =	sadd.s32 s0, s3;
	s0 =	sld [smem:$0x3FAA]  }
0x30: {  	s3 =	sld [smem:$0x3FAD]  }
0x31: {  	[smem:$0x3FB6] =	sst s10  }
0x32: {  	s10 =	sld [smem:$0x3FB4];
	_ =	sdelay $0x3  }
0x33: {  	p0 =	seq.s32 s10, $0x1;
	s10 =	sld [smem:$0x3FB6];
	_ =	sdelay $0x3  }
0x34: {  	[smem:$0x3FB6] =	sst s10  }
0x35: {  	s10 =	sld [smem:$0x3FB5];
	_ =	sdelay $0x3  }
0x36: {  	p1 =	seq.s32 s10, $0x1;
	s10 =	sld [smem:$0x3FB6];
	_ =	sdelay $0x3  }
0x37: {  	[smem:$0x3FB6] =	sst s10  }
0x38: {  	s10 =	sld [smem:$0x3FB7]  }
0x39: {  	_ = 	snop;
	(pc) =	sbr.ind lr, $3  }
0x3a: {  	_ = 	snop  }
0x3b: {  	_ = 	snop  }
0x3c: {  	p2 =	seq.s32 s10, $0x1;
	s10 =	sld [smem:$0x3FB6]  }
0x3d: {  	_ =	shalt  }
0x3e: {  	_ =	shalt  }
0x3f: {  	_ =	shalt  }
0x40: {  	_ =	shalt  }
0x41: {  	_ =	shalt  }
0x42: {  	_ =	shalt  }
0x43: {  	_ =	shalt  }
0x44: {  	_ =	shalt  }
0x45: {  	_ =	shalt  }
0x46: {  	_ =	shalt  }
0x47: {  	_ =	shalt  }
0x48: {  	_ =	shalt  }
0x49: {  	_ =	shalt  }
0x4a: {  	_ =	shalt  }
0x4b: {  	_ =	shalt  }
0x4c: {  	_ =	shalt  }
0x4d: {  	_ =	shalt  }
0x4e: {  	_ =	shalt  }
0x4f: {  	_ =	shalt  }
0x50: {  	_ =	shalt  }
0x51: {  	_ =	shalt  }
0x52: {  	_ =	shalt  }
0x53: {  	_ =	shalt  }
0x54: {  	_ =	shalt  }
0x55: {  	_ =	shalt  }
0x56: {  	_ =	shalt  }
0x57: {  	_ =	shalt  }
0x58: {  	_ =	shalt  }
0x59: {  	_ =	shalt  }
0x5a: {  	_ =	shalt  }
0x5b: {  	_ =	shalt  }
0x5c: {  	_ =	shalt  }
0x5d: {  	_ =	shalt  }
0x5e: {  	_ =	shalt  }
0x5f: {  	_ =	shalt  }
0x60: {  	_ =	shalt  }
0x61: {  	_ =	shalt  }
0x62: {  	_ =	shalt  }
0x63: {  	_ =	shalt  }
0x64: {  	_ =	shalt  }
0x65: {  	_ =	shalt  }
0x66: {  	_ =	shalt  }
0x67: {  	_ =	shalt  }
0x68: {  	_ =	shalt  }
0x69: {  	_ =	shalt  }
0x6a: {  	_ =	shalt  }
0x6b: {  	_ =	shalt  }
0x6c: {  	_ =	shalt  }
0x6d: {  	_ =	shalt  }
0x6e: {  	_ =	shalt  }
0x6f: {  	_ =	shalt  }
0x70: {  	_ =	shalt  }
0x71: {  	_ =	shalt  }
0x72: {  	_ =	shalt  }
0x73: {  	_ =	shalt  }
0x74: {  	_ =	shalt  }
0x75: {  	_ =	shalt  }
0x76: {  	_ =	shalt  }
0x77: {  	_ =	shalt  }
0x78: {  	_ =	shalt  }
0x79: {  	_ =	shalt  }
0x7a: {  	_ =	shalt  }
0x7b: {  	_ =	shalt  }
0x7c: {  	_ =	shalt  }
0x7d: {  	_ =	shalt  }
0x7e: {  	_ =	shalt  }
0x7f: {  	_ =	shalt  }
0x80: {  	_ =	shalt  }
0x81: {  	_ =	shalt  }
0x82: {  	_ =	shalt  }
0x83: {  	_ =	shalt  }
0x84: {  	_ =	shalt  }
0x85: {  	_ =	shalt  }
0x86: {  	_ =	shalt  }
0x87: {  	_ =	shalt  }
.Lfunc_end0:
.L_simem_size_0:
called_computation.2_lowered:
.L_overlay_start_0:
0x88: {  	s2 =	sld [smem:$0x3FD9]  }
0x89: {  	s3 =	sld [smem:$0x3FFE];
	_ =	sdelay $0x1  }
0x8a: {  	s1 =	srdreg.scid  }
0x8b: {  	s0 =	sand.u32 $0x1, s1  }
0x8c: {  	s16 =	sshll.u32 s0, $0xA;
	s2 =	sadd.s32 s3, s2  }
0x8d: {  	s2 =	sadd.s32 s2, s16  }
0x8e: {  	[smem:$0x3FC2] =	sst s2  }
0x8f: {  	_ = 	snop  }
0x90: {  	(tm) =	ssettm $0x1  }
0x91: {  	s17 =	sld [smem:$0x3FFB];
	_ =	sdelay $0x3  }
0x92: {  	_ =	strace s17  }
0x93: {  	s2 =	sld [smem:$0x3FFC];
	_ =	sdelay $0x3  }
0x94: {  	_ =	strace s2  }
0x95: {  	s2 =	sld [smem:$0x3FFD];
	_ =	sdelay $0x3  }
0x96: {  	_ =	strace s2  }
0x97: {  	_ =	strace $0x8FFFFFFF  }
0x98: {  	s18 =	sld [smem:$0x3FDB];
	_ =	sdelay $0x1  }
0x99: {  	s19 =	simm.s32 $_scs_section_size  }
0x9a: {  	s4 =	simm.s32 $_size__tile_overlayer_lowered;
	s5 =	simm.s32 $_tile_overlayer_lowered  }
0x9b: {  	s22 =	simm.s32 $0x1BFF;
	s21 =	sshll.u32 s5, $0x1;
	s2 =	sadd.s32 s19, s18  }
0x9c: {  	s6 =	simm.s32 $0x0;
	s20 =	sshll.u32 s4, $0x1;
	s4 =	sadd.s32 s21, s2  }
0x9d: {  	[timem:s6], [sflag:s22] =	dma.local [hbm:s4], s20  }
0x9e: {  	_ =	swait.ge [sflag:s22], s20  }
0x9f: {  	s3 =	ssub.s32 $0x0, s20;
	[sflag:s22] =	ssyncset.done $0x0  }
0xa0: {  	[sflag:s22] =	ssyncadd.s32 s3;
	_ =	sdelay $0x1  }
0xa1: {  	s23 =	simm.s32 $0x1B8B  }
0xa2: {  	_ =	swait.ge [sflag:s23], $0x1  }
0xa3: {  	[sflag:s23] =	ssyncset.done $0x0  }
0xa4: {  	s25 =	simm.s32 $0x1B8E;
	s24 =	sld [smem:$0x3FFE];
	[sflag:s23] =	ssyncadd.s32 $0xFFFFFFFF  }
0xa5: {  	s26 =	simm.s32 $execute0_lowered;
	[smem:$0x3FD2] =	sst s25  }
0xa6: {  	s4 =	sshll.u32 s26, $0x1;
	_ =	strace $0x8000004C;
	[dreg:$0x1] =	wrdreg $0xFFFFFFFF  }
0xa7: {  	s28 =	simm.s32 $_size_execute0_lowered;
	s2 =	sadd.s32 s2, s4;
	[dreg:$0x0] =	wrdreg $0x0  }
0xa8: {  	s4 =	sshll.u32 s28, $0x1;
	[dreg:$0x2] =	wrdreg s2  }
0xa9: {  	[dreg:$0x3] =	wrdreg s4  }
0xaa: {  	[dreg:$0x4] =	wrdreg $0xC0  }
0xab: {  	_ =	task [dreg:s6], $0x5FFFF  }
0xac: {  	[dreg:$0x1] =	wrdreg $0xFFFFFFFF  }
0xad: {  	[dreg:$0x0] =	wrdreg $0x60  }
0xae: {  	[dreg:$0x2] =	wrdreg s24  }
0xaf: {  	[dreg:$0x3] =	wrdreg $0xAA000  }
0xb0: {  	[dreg:$0x4] =	wrdreg $0x9  }
0xb1: {  	_ =	task.clear_ibuf [dreg:s6], $0x5FFFF;
	_ =	strace $0x9000004C  }
0xb2: {  	s29 =	simm.s32 $0x9;
	_ =	strace $0x8000004E  }
0xb3: {  	_ =	swait.ge [sflag:s29], $0x1  }
0xb4: {  	[sflag:s29] =	ssyncadd.s32 $0xFFFFFFFF  }
0xb5: {  	_ =	strace $0x9000004E  }
0xb6: {  	_ =	sfence  }
0xb7: {  	s30 =	sld [smem:$0x0];
	_ =	sdelay $0x2  }
0xb8: {  	s31 =	sshll.u32 s1, $0xD;
	s1 =	sshrl.u32 s1, $0x2  }
0xb9: {  	s3 =	sand.u32 $0x4000, s31;
	s1 =	sadd.s32 s1, s30  }
0xba: {  	s0 =	sor.u32 s3, s0;
	s1 =	sshll.u32 s1, $0x11  }
0xbb: {  	s0 =	sor.u32 s1, s0  }
0xbc: {  	s0 =	sadd.s32 $0x8F2B, s0  }
0xbd: {  	[sflag:s0] =	ssyncadd.remote.s32 $0x1  }
0xbe: {  	_ =	sfence.sel $0xFFFF  }
0xbf: {  	[dreg:$0x0] =	wrdreg $0xFFFFFFFF;
	(pc) =	sbr.abs _section_cstart, $3  }
0xc0: {  	[dreg:$0x1] =	wrdreg $0xFFFFFFFF  }
0xc1: {  	_ =	task.clear_ibuf [dreg:s6], $0x2FFFF;
	_ =	strace $0x9FFFFFFF  }
0xc2: {  	(tm) =	ssettm $0x7FFFFFFF  }
0xc3: {  	_ =	shalt  }
tec
execute0_lowered:
.L_overlay_start_1:
0x0: {  	(tag) =	ssettag $0x1  }
0x1: {  	s0 =	srdreg.scid;
	s1 =	rddreg [dreg:$0x0]  }
0x2: {  	s10 =	stileid.u32;
	s2 =	rddreg [dreg:$0x1]  }
0x3: {  	s12 =	simm.s32 $0x2800;
	s14 =	simm.s32 $0x2880;
	s16 =	simm.s32 $0x2900  }
0x4: {  	s18 =	simm.s32 $0x2980;
	s19 =	simm.s32 $0x3;
	s20 =	simm.s32 $0x80  }
0x5: {  	s21 =	simm.s32 $0x2A00;
	s23 =	simm.s32 $0x1;
	s22 =	smul.u32 $0x2800, s10  }
0x6: {  	s25 =	simm.s32 $0x6A00;
	s0 =	sand.u32 $0x1, s0;
	s7 =	smul.u32 $0x50000, s10  }
0x7: {  	s26 =	simm.s32 $0x2;
	s3 =	sshll.u32 s0, $0x4;
	s6 =	smul.u32 $0x28000, s0  }
0x8: {  	s0 =	ssub.s32 $0x2, s0;
	s4 =	sor.u32 s10, s3;
	s3 =	simm.s32 $0x0  }
0x9: {  	s9 =	sadd.s32 s22, s1;
	s29 =	sshrl.u32 s0, $0x1;
	s30 =	sshrl.u32 s7, $0x2  }
0xa: {  	s10 =	sshll.u32 s10, $0x6;
	s5 =	smul.u32 $0x500, s4;
	[smem:$0x7FF] =	sst s3  }
0xb: {  	s4 =	sadd.s32 $0x3F400, s1;
	s0 =	ssub.s32 s0, s29;
	s11 =	sadd.s32 s30, s2  }
0xc: {  	s10 =	sor.u32 $0x1C04, s10;
	_ =	strace $0x8000004D;
	s11 =	sshrl.u32 s11, $0x3  }
0xd: {  	s8 =	sadd.s32 s5, s1;
	s1 =	sadd.s32 s6, s1;
	s6 =	sadd.s32 $0x17400, s9  }
0xe: {  	s9 =	simm.s32 $0x4;
	s31 =	sadd.s32 $0xD400, s8;
	s7 =	sadd.s32 $0x3400, s8  }
0xf: {  	s1 =	sadd.s32 $0x8F400, s1;
	s8 =	smax.u32 s0, $0x1;
	[dreg:$0x3] =	wrdreg s31  }
0x10: {  	s13 =	sadd.s32 $0x10, s7;
	s15 =	sadd.s32 $0x20, s7;
	s17 =	sadd.s32 $0x30, s7  }
0x11: {  	s28 =	sadd.s32 $0x40, s7;
	s24 =	sadd.s32 s22, s1;
	s1 =	simm.s32 $0x0  }
.LBB2_1:
0x12: {  	s0 =	rddreg [dreg:$0x3]  }
0x13: {  	[tilespmem:s3], [sflag:$0x4] =	stream.linear.gather [hbm4b:s0+s3], $0x2800, $0x38;
	[tilespmem:$0x1EA00] =	vst v63  }
0x14: {  	_ =	swait.ge [sflag:s9], $0x2800  }
0x15: {  	[sflag:s9] =	ssyncset.done $0x0  }
0x16: {  	[sflag:s9] =	ssyncadd.s32 $0xFFFFD800  }
0x17: {  	[spmem:s11], [sflag:s10] =	dma.local [hbm:s6], $0x2800  }
0x18: {  	_ =	swait.ge [sflag:s9], $0x2800  }
0x19: {  	[sflag:s9] =	ssyncset.done $0x0  }
0x1a: {  	[sflag:s9] =	ssyncadd.s32 $0xFFFFD800  }
0x1b: {  	[bflag:$0x0] =	sbarrier.arrive $0xFFFF  }
0x1c: {  	[tilespmem:s12], [sflag:$0x3] =	stream.linear.gather [hbm4b:s7+s3], $0x80, $0x38;
	[tilespmem:$0x1EA00] =	vst v63  }
0x1d: {  	_ = 	snop  }
0x1e: {  	[tilespmem:s14], [sflag:$0x3] =	stream.linear.gather [hbm4b:s13+s3], $0x80, $0x38;
	[tilespmem:$0x1EA00] =	vst v63  }
0x1f: {  	_ = 	snop  }
0x20: {  	[tilespmem:s16], [sflag:$0x3] =	stream.linear.gather [hbm4b:s15+s3], $0x80, $0x38;
	[tilespmem:$0x1EA00] =	vst v63  }
0x21: {  	_ = 	snop  }
0x22: {  	[tilespmem:s18], [sflag:$0x3] =	stream.linear.gather [hbm4b:s17+s3], $0x80, $0x38;
	[tilespmem:$0x1EA00] =	vst v63  }
0x23: {  	_ =	swait.ge [sflag:s19], $0x80  }
0x24: {  	[sflag:s19] =	ssyncset.done $0x0  }
0x25: {  	[sflag:s19] =	ssyncadd.s32 $0xFFFFFF80  }
0x26: {  	[tilespmem:s21], [sflag:$0x1] =	stream.indirect.gather [hbm4b:s4+s20], $0x80, s12, s20, $0xb8;
	[tilespmem:$0x1EA00] =	vst v63  }
0x27: {  	_ =	swait.ge [sflag:s23], $0x4000  }
0x28: {  	[sflag:s23] =	ssyncset.done $0x0  }
0x29: {  	[sflag:s23] =	ssyncadd.s32 $0xFFFFC000  }
0x2a: {  	s22 =	simm.s32 $0x80;
	_ =	swait.ge [sflag:s19], $0x80  }
0x2b: {  	s0 =	sand.u32 $0x180, s22;
	[sflag:s19] =	ssyncset.done $0x0  }
0x2c: {  	s22 =	sand.u32 $0x100, s3;
	s0 =	sor.u32 $0x2800, s0;
	[sflag:s19] =	ssyncadd.s32 $0xFFFFFF80  }
0x2d: {  	[tilespmem:s25], [sflag:$0x2] =	stream.indirect.gather [hbm4b:s4+s20], $0x80, s0, s20, $0xb8;
	[tilespmem:$0x1EA00] =	vst v63  }
0x2e: {  	s30 =	sor.u32 $0x2800, s22  }
0x2f: {  	[tilespmem:s30], [sflag:$0x3] =	stream.linear.gather [hbm4b:s28+s3], $0x80, $0x38;
	[tilespmem:$0x1EA00] =	vst v63  }
0x30: {  	_ = 	snop  }
0x31: {  	[spmem:s2] =	stream.indirect.scatter.add.f32 [tilespmem:s21], [sflag:$0x4], $0x80, s3, s20, $0xb8;
	[tilespmem:$0x1EA00] =	vst v63  }
0x32: {  	_ =	swait.ge [sflag:s9], $0x4000  }
0x33: {  	[sflag:s9] =	ssyncset.done $0x0  }
0x34: {  	[sflag:s9] =	ssyncadd.s32 $0xFFFFC000  }
0x35: {  	_ =	swait.ge [sflag:s26], $0x4000  }
0x36: {  	[sflag:s26] =	ssyncset.done $0x0  }
0x37: {  	[sflag:s26] =	ssyncadd.s32 $0xFFFFC000  }
0x38: {  	_ =	swait.ge [sflag:s19], $0x80  }
0x39: {  	s5 =	simm.s32 $0x280;
	s31 =	sxor.u32 $0x100, s22;
	[sflag:s19] =	ssyncset.done $0x0  }
0x3a: {  	s22 =	sand.u32 $0x180, s5;
	s0 =	sor.u32 $0x2800, s31;
	[sflag:s19] =	ssyncadd.s32 $0xFFFFFF80  }
0x3b: {  	[tilespmem:s21], [sflag:$0x1] =	stream.indirect.gather [hbm4b:s4+s20], $0x80, s0, s20, $0xb8;
	[tilespmem:$0x1EA00] =	vst v63  }
0x3c: {  	s30 =	sadd.s32 $0x10, s28;
	s0 =	sor.u32 $0x2800, s22  }
0x3d: {  	[tilespmem:s0], [sflag:$0x3] =	stream.linear.gather [hbm4b:s30+s3], $0x80, $0x38;
	[tilespmem:$0x1EA00] =	vst v63  }
0x3e: {  	s29 =	simm.s32 $0x0;
	s31 =	simm.s32 $0x80  }
0x3f: {  	[spmem:s2] =	stream.indirect.scatter.add.f32 [tilespmem:s25], [sflag:$0x4], $0x80, s31, s20, $0xb8;
	[tilespmem:$0x1EA00] =	vst v63  }
0x40: {  	s22 =	smov.u32 s28;
	s0 =	simm.s32 $0x100;
	_ =	swait.ge [sflag:s9], $0x4000  }
.LBB2_2:
0x41: {  	[sflag:s9] =	ssyncset.done $0x0  }
0x42: {  	s22 =	sadd.s32 $0x20, s22;
	s29 =	sadd.s32 $0x100, s29;
	s30 =	smov.u32 s0  }
0x43: {  	p0 =	sne.s32 s0, $0x2500;
	s0 =	sadd.s32 $0x100, s0;
	[sflag:s9] =	ssyncadd.s32 $0xFFFFC000  }
0x44: {  	_ =	swait.ge [sflag:s23], $0x4000  }
0x45: {  	[sflag:s23] =	ssyncset.done $0x0  }
0x46: {  	[sflag:s23] =	ssyncadd.s32 $0xFFFFC000  }
0x47: {  	s31 =	sadd.s32 $0x80, s30;
	_ =	swait.ge [sflag:s19], $0x80  }
0x48: {  	s31 =	sand.u32 $0x180, s31;
	[sflag:s19] =	ssyncset.done $0x0  }
0x49: {  	s5 =	sand.u32 $0x100, s30;
	s31 =	sor.u32 $0x2800, s31;
	[sflag:s19] =	ssyncadd.s32 $0xFFFFFF80  }
0x4a: {  	[tilespmem:s25], [sflag:$0x2] =	stream.indirect.gather [hbm4b:s4+s20], $0x80, s31, s20, $0xb8;
	[tilespmem:$0x1EA00] =	vst v63  }
0x4b: {  	s31 =	sor.u32 $0x2800, s5;
	s5 =	sxor.u32 $0x100, s5  }
0x4c: {  	[tilespmem:s31], [sflag:$0x3] =	stream.linear.gather [hbm4b:s22+s3], $0x80, $0x38;
	[tilespmem:$0x1EA00] =	vst v63  }
0x4d: {  	_ = 	snop  }
0x4e: {  	[spmem:s2] =	stream.indirect.scatter.add.f32 [tilespmem:s21], [sflag:$0x4], $0x80, s29, s20, $0xb8;
	[tilespmem:$0x1EA00] =	vst v63  }
0x4f: {  	_ =	swait.ge [sflag:s9], $0x4000  }
0x50: {  	[sflag:s9] =	ssyncset.done $0x0  }
0x51: {  	[sflag:s9] =	ssyncadd.s32 $0xFFFFC000  }
0x52: {  	_ =	swait.ge [sflag:s26], $0x4000  }
0x53: {  	[sflag:s26] =	ssyncset.done $0x0  }
0x54: {  	[sflag:s26] =	ssyncadd.s32 $0xFFFFC000  }
0x55: {  	_ =	swait.ge [sflag:s19], $0x80  }
0x56: {  	[sflag:s19] =	ssyncset.done $0x0  }
0x57: {  	s30 =	sadd.s32 $0x280, s30;
	s5 =	sor.u32 $0x2800, s5;
	[sflag:s19] =	ssyncadd.s32 $0xFFFFFF80  }
0x58: {  	[tilespmem:s21], [sflag:$0x1] =	stream.indirect.gather [hbm4b:s4+s20], $0x80, s5, s20, $0xb8;
	[tilespmem:$0x1EA00] =	vst v63  }
0x59: {  	s5 =	sand.u32 $0x180, s30;
	s30 =	sadd.s32 $0x10, s22  }
.Ltmp0:
0x5a: {  	s31 =	sadd.s32 $0x80, s29;
	s5 =	sor.u32 $0x2800, s5;
	(pc) =	sbr.rel @p0 .LBB2_2-.Ltmp0, $4  }
0x5b: {  	[tilespmem:s5], [sflag:$0x3] =	stream.linear.gather [hbm4b:s30+s3], $0x80, $0x38;
	[tilespmem:$0x1EA00] =	vst v63  }
0x5c: {  	_ = 	snop  }
0x5d: {  	[spmem:s2] =	stream.indirect.scatter.add.f32 [tilespmem:s25], [sflag:$0x4], $0x80, s31, s20, $0xb8;
	[tilespmem:$0x1EA00] =	vst v63  }
0x5e: {  	_ =	swait.ge [sflag:s9], $0x4000  }
0x5f: {  	[sflag:s9] =	ssyncset.done $0x0  }
0x60: {  	[sflag:s9] =	ssyncadd.s32 $0xFFFFC000  }
0x61: {  	_ =	swait.ge [sflag:s23], $0x4000  }
0x62: {  	[sflag:s23] =	ssyncset.done $0x0  }
0x63: {  	[sflag:s23] =	ssyncadd.s32 $0xFFFFC000  }
0x64: {  	_ =	swait.ge [sflag:s19], $0x80  }
0x65: {  	[sflag:s19] =	ssyncset.done $0x0  }
0x66: {  	[sflag:s19] =	ssyncadd.s32 $0xFFFFFF80  }
0x67: {  	[tilespmem:s25], [sflag:$0x2] =	stream.indirect.gather [hbm4b:s4+s20], $0x80, s14, s20, $0xb8;
	[tilespmem:$0x1EA00] =	vst v63  }
0x68: {  	s0 =	simm.s32 $0x2600  }
0x69: {  	[spmem:s2] =	stream.indirect.scatter.add.f32 [tilespmem:s21], [sflag:$0x4], $0x80, s0, s20, $0xb8;
	[tilespmem:$0x1EA00] =	vst v63  }
0x6a: {  	_ =	swait.ge [sflag:s9], $0x4000  }
0x6b: {  	[sflag:s9] =	ssyncset.done $0x0  }
0x6c: {  	[sflag:s9] =	ssyncadd.s32 $0xFFFFC000  }
0x6d: {  	_ =	swait.ge [sflag:s26], $0x4000  }
0x6e: {  	[sflag:s26] =	ssyncset.done $0x0  }
0x6f: {  	[sflag:s26] =	ssyncadd.s32 $0xFFFFC000  }
0x70: {  	_ =	swait.ge [sflag:s19], $0x80  }
0x71: {  	[sflag:s19] =	ssyncset.done $0x0  }
0x72: {  	[sflag:s19] =	ssyncadd.s32 $0xFFFFFF80  }
0x73: {  	[tilespmem:s21], [sflag:$0x1] =	stream.indirect.gather [hbm4b:s4+s20], $0x80, s16, s20, $0xb8;
	[tilespmem:$0x1EA00] =	vst v63  }
0x74: {  	s29 =	simm.s32 $0x2680  }
0x75: {  	[spmem:s2] =	stream.indirect.scatter.add.f32 [tilespmem:s25], [sflag:$0x4], $0x80, s29, s20, $0xb8;
	[tilespmem:$0x1EA00] =	vst v63  }
0x76: {  	_ =	swait.ge [sflag:s9], $0x4000  }
0x77: {  	[sflag:s9] =	ssyncset.done $0x0  }
0x78: {  	[sflag:s9] =	ssyncadd.s32 $0xFFFFC000  }
0x79: {  	_ =	swait.ge [sflag:s23], $0x4000  }
0x7a: {  	[sflag:s23] =	ssyncset.done $0x0  }
0x7b: {  	[sflag:s23] =	ssyncadd.s32 $0xFFFFC000  }
0x7c: {  	_ =	swait.ge [sflag:s19], $0x80  }
0x7d: {  	[sflag:s19] =	ssyncset.done $0x0  }
0x7e: {  	[sflag:s19] =	ssyncadd.s32 $0xFFFFFF80  }
0x7f: {  	[tilespmem:s25], [sflag:$0x2] =	stream.indirect.gather [hbm4b:s4+s20], $0x80, s18, s20, $0xb8;
	[tilespmem:$0x1EA00] =	vst v63  }
0x80: {  	s30 =	simm.s32 $0x2700  }
0x81: {  	[spmem:s2] =	stream.indirect.scatter.add.f32 [tilespmem:s21], [sflag:$0x4], $0x80, s30, s20, $0xb8;
	[tilespmem:$0x1EA00] =	vst v63  }
0x82: {  	_ =	swait.ge [sflag:s9], $0x4000  }
0x83: {  	[sflag:s9] =	ssyncset.done $0x0  }
0x84: {  	[sflag:s9] =	ssyncadd.s32 $0xFFFFC000  }
0x85: {  	_ =	swait.ge [sflag:s26], $0x4000  }
0x86: {  	[sflag:s26] =	ssyncset.done $0x0  }
0x87: {  	s31 =	simm.s32 $0x2780;
	[sflag:s26] =	ssyncadd.s32 $0xFFFFC000  }
0x88: {  	[spmem:s2] =	stream.indirect.scatter.add.f32 [tilespmem:s25], [sflag:$0x4], $0x80, s31, s20, $0xb8;
	[tilespmem:$0x1EA00] =	vst v63  }
0x89: {  	_ =	swait.ge [sflag:s9], $0x4000  }
0x8a: {  	s1 =	sadd.s32 $0x1, s1;
	[sflag:s9] =	ssyncset.done $0x0  }
0x8b: {  	p0 =	sne.s32 s1, s8;
	[sflag:s9] =	ssyncadd.s32 $0xFFFFC000  }
.Ltmp1:
0x8c: {  	[bflag:$0x0] =	sbarrier.arrive $0xFFFF;
	(pc) =	sbr.rel @p0 .LBB2_1-.Ltmp1, $4  }
0x8d: {  	[hbm:s24], [sflag:s10] =	dma.local [spmem:s11], $0x2800  }
0x8e: {  	_ =	swait.ge [sflag:s9], $0x2800  }
0x8f: {  	[sflag:s9] =	ssyncset.done $0x0  }
0x90: {  	[sflag:s9] =	ssyncadd.s32 $0xFFFFD800  }
0x91: {  	_ =	sfence.sel $0x180000  }
0x92: {  	[bflag:$0x0] =	sbarrier.arrive $0xFFFF  }
0x93: {  	_ =	strace $0x9000004D  }
0x94: {  	s0 =	stileid.u32;
	[bflag:$0x2] =	sbarrier.arrive $0xFFFF  }
0x95: {  	p0 =	sne.s32 s0, $0x0;
	s0 =	rddreg [dreg:$0x2]  }
0x96: {  	s0 =	sadd.s32 @!p0 $0x100000, s0  }
0x97: {  	[sflag:s0] =	ssyncadd.tile.s32 @!p0 $0x1;
	_ =	shalt  }
.Lfunc_end2:
_tile_overlayer_lowered:
.L_overlay_start_2:
0x98: {  	(tag) =	ssettag $0x2  }
0x99: {  	s0 =	rddreg [dreg:$0x0];
	s2 =	stileid.u32  }
0x9a: {  	s1 =	rddreg [dreg:$0x1];
	p0 =	sne.s32 s2, $0x0  }
0x9b: {  	s3 =	rddreg [dreg:$0x2];
	[bflag:$0x3] =	sbarrier.arrive $0xFFFF;
	s2 =	simm.s32 @!p0 $0x1C04  }
0x9c: {  	[timem:s3], [sflag:s2] =	dma.local @!p0 [hbm:s0], s1  }
0x9d: {  	s0 =	simm.s32 @!p0 $0x4  }
0x9e: {  	_ =	swait.ge @!p0 [sflag:s0], s1  }
0x9f: {  	s1 =	ssub.s32 @!p0 $0x0, s1;
	[sflag:s0] =	ssyncset.done @!p0 $0x0  }
0xa0: {  	[sflag:s0] =	ssyncadd.s32 @!p0 s1  }
0xa1: {  	[bflag:$0x3] =	sbarrier.arrive $0xFFFF  }
0xa2: {  	_ =	shalt  }

// kernel: kernel.8.cloned.1.call-start
scs
__scs_entry_jumppad:
0x0: {  	(pc) =	sbr.rel $0x88, $3  }
0x1: {  	(tag) =	ssettag $0x0;
	lr =	simm.s32 $0x1  }
0x2: {  	[smem:$0x3F9B] =	sst lr;
	_ =	strace $0xD0000000  }
0x3: {  	_ = 	snop  }
0x4: {  	_ = 	snop  }
0x5: {  	_ = 	snop  }
0x6: {  	_ = 	snop  }
0x7: {  	_ = 	snop  }
__scs_overlays_trampoline_lowered:
0x8: {  	[smem:$0x3FAA] =	sst s0  }
0x9: {  	[smem:$0x3FAB] =	sst s1  }
0xa: {  	[smem:$0x3FAC] =	sst s2  }
0xb: {  	[smem:$0x3FAD] =	sst s3  }
0xc: {  	[smem:$0x3FAE] =	sst s4  }
0xd: {  	[smem:$0x3FAF] =	sst s5  }
0xe: {  	[smem:$0x3FB0] =	sst s6  }
0xf: {  	[smem:$0x3FB1] =	sst s7  }
0x10: {  	[smem:$0x3FB2] =	sst s8  }
0x11: {  	[smem:$0x3FB3] =	sst s9;
	s0 =	simm.s32 @!p0 $0x0  }
0x12: {  	s1 =	sld [smem:$0x3F99];
	s0 =	simm.s32 @p0 $0x1  }
0x13: {  	[smem:$0x3FB4] =	sst s0;
	s0 =	simm.s32 @!p1 $0x0  }
0x14: {  	s2 =	sld [smem:$0x3F98];
	s0 =	simm.s32 @p1 $0x1  }
0x15: {  	[smem:$0x3FB5] =	sst s0;
	s0 =	simm.s32 @!p2 $0x0  }
0x16: {  	s3 =	sld [smem:$0x3FDB];
	s0 =	simm.s32 @p2 $0x1  }
0x17: {  	s4 =	simm.s32 $0x1BF5;
	[smem:$0x3FB7] =	sst s0  }
0x18: {  	s0 =	sld [smem:$0x3F9A];
	_ =	swait.ge [sflag:s4], $0x0  }
0x19: {  	s7 =	sld [smem:$0x3F9B]  }
0x1a: {  	s8 =	sadd.s32 $0xFFFFE003, lr  }
0x1b: {  	s9 =	sadd.s32 $0xFFFFFEF7, lr;
	s5 =	simm.s32 $0xFFFFFFFF;
	p2 =	slt.u32 s8, $0xFFFFF086  }
0x1c: {  	p1 =	slt.u32 s9, $0xF7A;
	s5 =	simm.s32 @!p2 $0x0  }
0x1d: {  	s5 =	simm.s32 @p1 $0x1;
	p0 =	seq.s32 s7, s2  }
0x1e: {  	s7 =	smul.u32 @!p0 $0xF7A, s2;
	p2 =	seq.s32 @!p0 s5, $0x0  }
0x1f: {  	s9 =	smul.u32 $0xF7A, s1;
	s8 =	simm.s32 @!p0 $0x1BF5;
	p2 =	por !p2, p0  }
0x20: {  	[sflag:s8] =	ssyncset.s32 @!p0 $0xFFFFF086;
	s6 =	sadd.s32 @!p0 s3, s7;
	s7 =	simm.s32 @!p0 $0x108  }
0x21: {  	s3 =	sadd.s32 s3, s9;
	s6 =	sadd.s32 @!p0 $0x88, s6;
	s7 =	simm.s32 @p2 $0x1082  }
0x22: {  	[simem:s7], [sflag:s8] =	dma.local @!p0 [hbm:s6], $0xF7A  }
0x23: {  	s9 =	sor.u32 $0xD0000000, s2;
	s6 =	simm.s32 $0x108;
	_ =	swait.ge @!p0 [sflag:s8], $0x0  }
0x24: {  	s3 =	sadd.s32 $0x88, s3;
	s6 =	simm.s32 @!p1 $0x1082;
	[sflag:s4] =	ssyncset.s32 $0xFFFFF086  }
0x25: {  	[simem:s6], [sflag:s4] =	dma.local [hbm:s3], $0xF7A  }
0x26: {  	[smem:$0x3F9B] =	sst s1;
	(tag) =	ssettag s2;
	_ =	strace s9  }
0x27: {  	s1 =	sld [smem:$0x3FAB]  }
0x28: {  	s2 =	sld [smem:$0x3FAC]  }
0x29: {  	s4 =	sld [smem:$0x3FAE]  }
0x2a: {  	p0 =	seq.s32 s5, $0x0;
	s5 =	sld [smem:$0x3FAF]  }
0x2b: {  	s6 =	sld [smem:$0x3FB0]  }
0x2c: {  	s7 =	sld [smem:$0x3FB1]  }
0x2d: {  	s3 =	simm.s32 $0x108;
	s8 =	sld [smem:$0x3FB2]  }
0x2e: {  	s3 =	simm.s32 @!p0 $0x1082;
	s9 =	sld [smem:$0x3FB3]  }
0x2f: {  	lr =	sadd.s32 s0, s3;
	s0 =	sld [smem:$0x3FAA]  }
0x30: {  	s3 =	sld [smem:$0x3FAD]  }
0x31: {  	[smem:$0x3FB6] =	sst s10  }
0x32: {  	s10 =	sld [smem:$0x3FB4];
	_ =	sdelay $0x3  }
0x33: {  	p0 =	seq.s32 s10, $0x1;
	s10 =	sld [smem:$0x3FB6];
	_ =	sdelay $0x3  }
0x34: {  	[smem:$0x3FB6] =	sst s10  }
0x35: {  	s10 =	sld [smem:$0x3FB5];
	_ =	sdelay $0x3  }
0x36: {  	p1 =	seq.s32 s10, $0x1;
	s10 =	sld [smem:$0x3FB6];
	_ =	sdelay $0x3  }
0x37: {  	[smem:$0x3FB6] =	sst s10  }
0x38: {  	s10 =	sld [smem:$0x3FB7]  }
0x39: {  	_ = 	snop;
	(pc) =	sbr.ind lr, $3  }
0x3a: {  	_ = 	snop  }
0x3b: {  	_ = 	snop  }
0x3c: {  	p2 =	seq.s32 s10, $0x1;
	s10 =	sld [smem:$0x3FB6]  }
0x3d: {  	_ =	shalt  }
0x3e: {  	_ =	shalt  }
0x3f: {  	_ =	shalt  }
0x40: {  	_ =	shalt  }
0x41: {  	_ =	shalt  }
0x42: {  	_ =	shalt  }
0x43: {  	_ =	shalt  }
0x44: {  	_ =	shalt  }
0x45: {  	_ =	shalt  }
0x46: {  	_ =	shalt  }
0x47: {  	_ =	shalt  }
0x48: {  	_ =	shalt  }
0x49: {  	_ =	shalt  }
0x4a: {  	_ =	shalt  }
0x4b: {  	_ =	shalt  }
0x4c: {  	_ =	shalt  }
0x4d: {  	_ =	shalt  }
0x4e: {  	_ =	shalt  }
0x4f: {  	_ =	shalt  }
0x50: {  	_ =	shalt  }
0x51: {  	_ =	shalt  }
0x52: {  	_ =	shalt  }
0x53: {  	_ =	shalt  }
0x54: {  	_ =	shalt  }
0x55: {  	_ =	shalt  }
0x56: {  	_ =	shalt  }
0x57: {  	_ =	shalt  }
0x58: {  	_ =	shalt  }
0x59: {  	_ =	shalt  }
0x5a: {  	_ =	shalt  }
0x5b: {  	_ =	shalt  }
0x5c: {  	_ =	shalt  }
0x5d: {  	_ =	shalt  }
0x5e: {  	_ =	shalt  }
0x5f: {  	_ =	shalt  }
0x60: {  	_ =	shalt  }
0x61: {  	_ =	shalt  }
0x62: {  	_ =	shalt  }
0x63: {  	_ =	shalt  }
0x64: {  	_ =	shalt  }
0x65: {  	_ =	shalt  }
0x66: {  	_ =	shalt  }
0x67: {  	_ =	shalt  }
0x68: {  	_ =	shalt  }
0x69: {  	_ =	shalt  }
0x6a: {  	_ =	shalt  }
0x6b: {  	_ =	shalt  }
0x6c: {  	_ =	shalt  }
0x6d: {  	_ =	shalt  }
0x6e: {  	_ =	shalt  }
0x6f: {  	_ =	shalt  }
0x70: {  	_ =	shalt  }
0x71: {  	_ =	shalt  }
0x72: {  	_ =	shalt  }
0x73: {  	_ =	shalt  }
0x74: {  	_ =	shalt  }
0x75: {  	_ =	shalt  }
0x76: {  	_ =	shalt  }
0x77: {  	_ =	shalt  }
0x78: {  	_ =	shalt  }
0x79: {  	_ =	shalt  }
0x7a: {  	_ =	shalt  }
0x7b: {  	_ =	shalt  }
0x7c: {  	_ =	shalt  }
0x7d: {  	_ =	shalt  }
0x7e: {  	_ =	shalt  }
0x7f: {  	_ =	shalt  }
0x80: {  	_ =	shalt  }
0x81: {  	_ =	shalt  }
0x82: {  	_ =	shalt  }
0x83: {  	_ =	shalt  }
0x84: {  	_ =	shalt  }
0x85: {  	_ =	shalt  }
0x86: {  	_ =	shalt  }
0x87: {  	_ =	shalt  }
.Lfunc_end0:
.L_simem_size_0:
called_computation_lowered:
.L_overlay_start_0:
0x88: {  	s2 =	sld [smem:$0x3FD9]  }
0x89: {  	s3 =	sld [smem:$0x3FFE];
	_ =	sdelay $0x1  }
0x8a: {  	s1 =	srdreg.scid  }
0x8b: {  	s0 =	sand.u32 $0x1, s1  }
0x8c: {  	s17 =	sshll.u32 s0, $0xA;
	s2 =	sadd.s32 s3, s2  }
0x8d: {  	s2 =	sadd.s32 s2, s17  }
0x8e: {  	[smem:$0x3FC2] =	sst s2  }
0x8f: {  	_ = 	snop  }
0x90: {  	s2 =	sld [smem:$0x3FD0];
	(tm) =	ssettm $0x1  }
0x91: {  	s18 =	sld [smem:$0x3FFB];
	_ =	sdelay $0x3  }
0x92: {  	_ =	strace s18  }
0x93: {  	s3 =	sld [smem:$0x3FFC];
	_ =	sdelay $0x3  }
0x94: {  	_ =	strace s3  }
0x95: {  	s3 =	sld [smem:$0x3FFD];
	_ =	sdelay $0x3  }
0x96: {  	_ =	strace s3  }
0x97: {  	_ =	strace $0x8FFFFFFF  }
0x98: {  	s19 =	sld [smem:$0x3FDB];
	_ =	sdelay $0x1  }
0x99: {  	s4 =	simm.s32 $_scs_section_size  }
0x9a: {  	s5 =	simm.s32 $_size__tile_overlayer_lowered;
	s6 =	simm.s32 $_tile_overlayer_lowered  }
0x9b: {  	s22 =	simm.s32 $0x1BFF;
	s21 =	sshll.u32 s6, $0x1;
	s3 =	sadd.s32 s4, s19  }
0x9c: {  	s7 =	simm.s32 $0x0;
	s20 =	sshll.u32 s5, $0x1;
	s5 =	sadd.s32 s21, s3  }
0x9d: {  	[timem:s7], [sflag:s22] =	dma.local [hbm:s5], s20  }
0x9e: {  	_ =	swait.ge [sflag:s22], s20  }
0x9f: {  	s4 =	ssub.s32 $0x0, s20;
	[sflag:s22] =	ssyncset.done $0x0  }
0xa0: {  	[sflag:s22] =	ssyncadd.s32 s4;
	_ =	sdelay $0x1  }
0xa1: {  	s23 =	simm.s32 $0x1B8B  }
0xa2: {  	_ =	swait.ge [sflag:s23], $0x1  }
0xa3: {  	[sflag:s23] =	ssyncset.done $0x0  }
0xa4: {  	s25 =	simm.s32 $0x1B8E;
	s24 =	sld [smem:$0x3FFE];
	[sflag:s23] =	ssyncadd.s32 $0xFFFFFFFF  }
0xa5: {  	s26 =	simm.s32 $execute0_lowered;
	[smem:$0x3FD2] =	sst s25  }
0xa6: {  	s5 =	sshll.u32 s26, $0x1;
	_ =	strace $0x80000046;
	[dreg:$0x1] =	wrdreg $0xFFFFFFFF  }
0xa7: {  	s28 =	simm.s32 $_size_execute0_lowered;
	s3 =	sadd.s32 s3, s5;
	[dreg:$0x0] =	wrdreg $0x0  }
0xa8: {  	s5 =	sshll.u32 s28, $0x1;
	[dreg:$0x2] =	wrdreg s3  }
0xa9: {  	[dreg:$0x3] =	wrdreg s5  }
0xaa: {  	[dreg:$0x4] =	wrdreg $0xC0  }
0xab: {  	_ =	task [dreg:s7], $0x5FFFF  }
0xac: {  	[dreg:$0x1] =	wrdreg $0xFFFFFFFF  }
0xad: {  	[dreg:$0x0] =	wrdreg $0x60  }
0xae: {  	[dreg:$0x2] =	wrdreg s2  }
0xaf: {  	[dreg:$0x3] =	wrdreg s24  }
0xb0: {  	[dreg:$0x4] =	wrdreg $0x68000  }
0xb1: {  	[dreg:$0x5] =	wrdreg $0x9  }
0xb2: {  	_ =	task.clear_ibuf [dreg:s7], $0x6FFFF;
	_ =	strace $0x90000046  }
0xb3: {  	s29 =	simm.s32 $0x9;
	_ =	strace $0x80000048  }
0xb4: {  	_ =	swait.ge [sflag:s29], $0x1  }
0xb5: {  	[sflag:s29] =	ssyncadd.s32 $0xFFFFFFFF  }
0xb6: {  	_ =	strace $0x90000048  }
0xb7: {  	_ =	sfence  }
0xb8: {  	s30 =	sld [smem:$0x0];
	_ =	sdelay $0x2  }
0xb9: {  	s31 =	sshll.u32 s1, $0xD;
	s1 =	sshrl.u32 s1, $0x2  }
0xba: {  	s3 =	sand.u32 $0x4000, s31;
	s1 =	sadd.s32 s1, s30  }
0xbb: {  	s0 =	sor.u32 s3, s0;
	s1 =	sshll.u32 s1, $0x11  }
0xbc: {  	s0 =	sor.u32 s1, s0  }
0xbd: {  	s0 =	sadd.s32 $0x8F2B, s0  }
0xbe: {  	[sflag:s0] =	ssyncadd.remote.s32 $0x1  }
0xbf: {  	_ =	sfence.sel $0xFFFF  }
0xc0: {  	[dreg:$0x0] =	wrdreg $0xFFFFFFFF;
	(pc) =	sbr.abs _section_cstart, $3  }
0xc1: {  	[dreg:$0x1] =	wrdreg $0xFFFFFFFF  }
0xc2: {  	_ =	task.clear_ibuf [dreg:s7], $0x2FFFF;
	_ =	strace $0x9FFFFFFF  }
0xc3: {  	(tm) =	ssettm $0x7FFFFFFF  }
tec
execute0_lowered:
.L_overlay_start_1:
0x0: {  	(tag) =	ssettag $0x1  }
0x1: {  	s0 =	srdreg.scid;
	s1 =	rddreg [dreg:$0x0]  }
0x2: {  	s6 =	rddreg [dreg:$0x1];
	s5 =	sand.u32 $0x1, s0;
	s0 =	stileid.u32  }
0x3: {  	s3 =	rddreg [dreg:$0x2];
	s14 =	smul.u32 $0x2800, s0  }
0x4: {  	s4 =	simm.s32 $0x0;
	s13 =	simm.s32 $0x1;
	s8 =	smul.u32 $0x28000, s5  }
0x5: {  	[smem:$0x7FF] =	sst s4;
	s2 =	sshll.u32 s5, $0x4;
	s9 =	smul.u32 $0x50000, s0  }
0x6: {  	s5 =	ssub.s32 $0x2, s5;
	s31 =	sshll.u32 s0, $0x6;
	s2 =	sor.u32 s0, s2  }
0x7: {  	s30 =	sshrl.u32 s5, $0x1;
	s7 =	smul.u32 $0x500, s2;
	s2 =	rddreg [dreg:$0x3]  }
0x8: {  	_ =	strace $0x80000047;
	s10 =	sadd.s32 s14, s6;
	s9 =	sshrl.u32 s9, $0x2  }
0x9: {  	s8 =	sadd.s32 s8, s6;
	s11 =	ssub.s32 s5, s30;
	s12 =	sadd.s32 s9, s3  }
0xa: {  	s15 =	sadd.s32 $0x3F400, s8;
	s8 =	simm.s32 $0x2;
	s9 =	simm.s32 $0x2800  }
0xb: {  	s7 =	sadd.s32 s7, s6;
	s6 =	sadd.s32 $0x17400, s10;
	s10 =	sor.u32 $0x1C02, s31  }
0xc: {  	s14 =	sadd.s32 s14, s15;
	s15 =	simm.s32 $0x0;
	s5 =	sadd.s32 $0xD400, s7  }
0xd: {  	s7 =	smax.u32 s11, $0x1;
	s11 =	sshrl.u32 s12, $0x3;
	s12 =	simm.s32 $0x80  }
.LBB2_1:
0xe: {  	[tilespmem:s4], [sflag:$0x2] =	stream.linear.gather [hbm4b:s5+s4], $0x2800, $0x38;
	[tilespmem:$0x1A800] =	vst v63  }
0xf: {  	_ =	swait.ge [sflag:s8], $0x2800  }
0x10: {  	[sflag:s8] =	ssyncset.done $0x0  }
0x11: {  	[sflag:s8] =	ssyncadd.s32 $0xFFFFD800  }
0x12: {  	[tilespmem:s9], [sflag:$0x2] =	stream.linear.gather [hbm4b:s1+s4], $0x4000, $0x38;
	[tilespmem:$0x1A800] =	vst v63  }
0x13: {  	_ =	swait.ge [sflag:s8], $0x4000  }
0x14: {  	[sflag:s8] =	ssyncset.done $0x0  }
0x15: {  	[sflag:s8] =	ssyncadd.s32 $0xFFFFC000  }
0x16: {  	[spmem:s11], [sflag:s10] =	dma.local [hbm:s6], $0x2800  }
0x17: {  	_ =	swait.ge [sflag:s8], $0x2800  }
0x18: {  	[sflag:s8] =	ssyncset.done $0x0  }
0x19: {  	[sflag:s8] =	ssyncadd.s32 $0xFFFFD800  }
0x1a: {  	s16 =	simm.s32 $0x0;
	[bflag:$0x0] =	sbarrier.arrive $0xFFFF  }
0x1b: {  	[spmem:s3] =	stream.indirect.scatter.add.f32 [tilespmem:s9], [sflag:$0x1], $0x80, s16, s12, $0xb8;
	[tilespmem:$0x1A800] =	vst v63  }
0x1c: {  	s29 =	simm.s32 $0x80  }
0x1d: {  	[spmem:s3] =	stream.indirect.scatter.add.f32 [tilespmem:s9], [sflag:$0x1], $0x80, s29, s12, $0xb8;
	[tilespmem:$0x1A800] =	vst v63  }
0x1e: {  	s30 =	simm.s32 $0x100  }
0x1f: {  	[spmem:s3] =	stream.indirect.scatter.add.f32 [tilespmem:s9], [sflag:$0x1], $0x80, s30, s12, $0xb8;
	[tilespmem:$0x1A800] =	vst v63  }
0x20: {  	s31 =	simm.s32 $0x180  }
0x21: {  	[spmem:s3] =	stream.indirect.scatter.add.f32 [tilespmem:s9], [sflag:$0x1], $0x80, s31, s12, $0xb8;
	[tilespmem:$0x1A800] =	vst v63  }
0x22: {  	_ =	swait.ge [sflag:s13], $0x4000  }
0x23: {  	[sflag:s13] =	ssyncset.done $0x0  }
0x24: {  	[sflag:s13] =	ssyncadd.s32 $0xFFFFC000  }
0x25: {  	_ =	swait.ge [sflag:s13], $0x4000  }
0x26: {  	[sflag:s13] =	ssyncset.done $0x0  }
0x27: {  	[sflag:s13] =	ssyncadd.s32 $0xFFFFC000  }
0x28: {  	_ =	swait.ge [sflag:s13], $0x4000  }
0x29: {  	[sflag:s13] =	ssyncset.done $0x0  }
0x2a: {  	[sflag:s13] =	ssyncadd.s32 $0xFFFFC000  }
0x2b: {  	_ =	swait.ge [sflag:s13], $0x4000  }
0x2c: {  	s17 =	simm.s32 $0x1000;
	s16 =	simm.s32 $0x800;
	[sflag:s13] =	ssyncset.done $0x0  }
.LBB2_2:
0x2d: {  	s18 =	sshra.s32 s16, $0x2  }
0x2e: {  	[sflag:s13] =	ssyncadd.s32 $0xFFFFC000;
	s16 =	smov.u32 s17;
	s19 =	sadd.s32 $0x800, s17  }
0x2f: {  	[spmem:s3] =	stream.indirect.scatter.add.f32 [tilespmem:s9], [sflag:$0x1], $0x80, s18, s12, $0xb8;
	[tilespmem:$0x1A800] =	vst v63  }
0x30: {  	p0 =	sne.s32 s17, $0x9800;
	s17 =	sadd.s32 $0x80, s18  }
0x31: {  	[spmem:s3] =	stream.indirect.scatter.add.f32 [tilespmem:s9], [sflag:$0x1], $0x80, s17, s12, $0xb8;
	[tilespmem:$0x1A800] =	vst v63  }
0x32: {  	s17 =	sadd.s32 $0x100, s18  }
0x33: {  	[spmem:s3] =	stream.indirect.scatter.add.f32 [tilespmem:s9], [sflag:$0x1], $0x80, s17, s12, $0xb8;
	[tilespmem:$0x1A800] =	vst v63  }
0x34: {  	s17 =	sadd.s32 $0x180, s18  }
0x35: {  	[spmem:s3] =	stream.indirect.scatter.add.f32 [tilespmem:s9], [sflag:$0x1], $0x80, s17, s12, $0xb8;
	[tilespmem:$0x1A800] =	vst v63  }
0x36: {  	_ =	swait.ge [sflag:s13], $0x4000  }
0x37: {  	[sflag:s13] =	ssyncset.done $0x0  }
0x38: {  	[sflag:s13] =	ssyncadd.s32 $0xFFFFC000  }
0x39: {  	_ =	swait.ge [sflag:s13], $0x4000  }
0x3a: {  	[sflag:s13] =	ssyncset.done $0x0  }
0x3b: {  	[sflag:s13] =	ssyncadd.s32 $0xFFFFC000  }
.Ltmp0:
0x3c: {  	_ =	swait.ge [sflag:s13], $0x4000;
	(pc) =	sbr.rel @p0 .LBB2_2-.Ltmp0, $4  }
0x3d: {  	[sflag:s13] =	ssyncset.done $0x0  }
0x3e: {  	[sflag:s13] =	ssyncadd.s32 $0xFFFFC000  }
0x3f: {  	_ =	swait.ge [sflag:s13], $0x4000  }
0x40: {  	s17 =	smov.u32 s19;
	[sflag:s13] =	ssyncset.done $0x0  }
0x41: {  	s16 =	sshra.s32 s16, $0x2;
	[sflag:s13] =	ssyncadd.s32 $0xFFFFC000  }
0x42: {  	[spmem:s3] =	stream.indirect.scatter.add.f32 [tilespmem:s9], [sflag:$0x1], $0x80, s16, s12, $0xb8;
	[tilespmem:$0x1A800] =	vst v63  }
0x43: {  	s17 =	sadd.s32 $0x80, s16  }
0x44: {  	[spmem:s3] =	stream.indirect.scatter.add.f32 [tilespmem:s9], [sflag:$0x1], $0x80, s17, s12, $0xb8;
	[tilespmem:$0x1A800] =	vst v63  }
0x45: {  	s31 =	sadd.s32 $0x100, s16  }
0x46: {  	[spmem:s3] =	stream.indirect.scatter.add.f32 [tilespmem:s9], [sflag:$0x1], $0x80, s31, s12, $0xb8;
	[tilespmem:$0x1A800] =	vst v63  }
0x47: {  	s16 =	sadd.s32 $0x180, s16  }
0x48: {  	[spmem:s3] =	stream.indirect.scatter.add.f32 [tilespmem:s9], [sflag:$0x1], $0x80, s16, s12, $0xb8;
	[tilespmem:$0x1A800] =	vst v63  }
0x49: {  	_ =	swait.ge [sflag:s13], $0x4000  }
0x4a: {  	[sflag:s13] =	ssyncset.done $0x0  }
0x4b: {  	[sflag:s13] =	ssyncadd.s32 $0xFFFFC000  }
0x4c: {  	_ =	swait.ge [sflag:s13], $0x4000  }
0x4d: {  	[sflag:s13] =	ssyncset.done $0x0  }
0x4e: {  	[sflag:s13] =	ssyncadd.s32 $0xFFFFC000  }
0x4f: {  	_ =	swait.ge [sflag:s13], $0x4000  }
0x50: {  	[sflag:s13] =	ssyncset.done $0x0  }
0x51: {  	[sflag:s13] =	ssyncadd.s32 $0xFFFFC000  }
0x52: {  	_ =	swait.ge [sflag:s13], $0x4000  }
0x53: {  	s15 =	sadd.s32 $0x1, s15;
	[sflag:s13] =	ssyncset.done $0x0  }
0x54: {  	p0 =	sne.s32 s15, s7;
	[sflag:s13] =	ssyncadd.s32 $0xFFFFC000  }
.Ltmp1:
0x55: {  	[bflag:$0x0] =	sbarrier.arrive $0xFFFF;
	(pc) =	sbr.rel @p0 .LBB2_1-.Ltmp1, $4  }
0x56: {  	[hbm:s14], [sflag:s10] =	dma.local [spmem:s11], $0x2800  }
0x57: {  	_ =	swait.ge [sflag:s8], $0x2800  }
0x58: {  	[sflag:s8] =	ssyncset.done $0x0  }
0x59: {  	[sflag:s8] =	ssyncadd.s32 $0xFFFFD800  }
0x5a: {  	_ =	sfence.sel $0x180000  }
0x5b: {  	[bflag:$0x0] =	sbarrier.arrive $0xFFFF  }
0x5c: {  	p0 =	sne.s32 s0, $0x0;
	_ =	strace $0x90000047  }
0x5d: {  	s0 =	sadd.s32 @!p0 $0x100000, s2;
	[bflag:$0x2] =	sbarrier.arrive $0xFFFF  }
0x5e: {  	[sflag:s0] =	ssyncadd.tile.s32 @!p0 $0x1;
	_ =	shalt  }
.Lfunc_end2:
_tile_overlayer_lowered:
.L_overlay_start_2:
0x5f: {  	(tag) =	ssettag $0x2  }
0x60: {  	s0 =	rddreg [dreg:$0x0];
	s2 =	stileid.u32  }
0x61: {  	s1 =	rddreg [dreg:$0x1];
	p0 =	sne.s32 s2, $0x0  }
0x62: {  	s3 =	rddreg [dreg:$0x2];
	[bflag:$0x3] =	sbarrier.arrive $0xFFFF;
	s2 =	simm.s32 @!p0 $0x1C02  }
0x63: {  	[timem:s3], [sflag:s2] =	dma.local @!p0 [hbm:s0], s1  }
0x64: {  	s0 =	simm.s32 @!p0 $0x2  }
0x65: {  	_ =	swait.ge @!p0 [sflag:s0], s1  }
0x66: {  	s1 =	ssub.s32 @!p0 $0x0, s1;
	[sflag:s0] =	ssyncset.done @!p0 $0x0  }
0x67: {  	[sflag:s0] =	ssyncadd.s32 @!p0 s1  }
0x68: {  	[bflag:$0x3] =	sbarrier.arrive $0xFFFF  }
0x69: {  	_ =	shalt  }

</sc_bundles>
